<compile_context>
chip_gen: v7x
topology: tpu7x:2x2x1
jax: 0.10.2.dev20260603
libtpu: 0.0.44.dev20260713+nightly
codegen_flags: <defaults>
</compile_context>

<pallas_src>
import functools

import jax
import jax.numpy as jnp
from jax import lax
from jax.experimental import pallas as pl
from jax.experimental.pallas import tpu as pltpu
from jax.experimental.pallas import tpu_sc as plsc

N, E, D = 10000, 320000, 128

NC, NS = 2, 16
NW = NC * NS
EPW = E // NW
CH = 80
NCH = EPW // CH
RING = 3
PF = 2
EPT = E // NS
NCHT = EPT // CH
SCH = 80
SNCH = EPW // SCH
SRING = 4
SPF = 2
RPT = N // NS


@functools.lru_cache(maxsize=None)
def _build_sc_kernels():
    mesh = plsc.VectorSubcoreMesh(core_axis_name="c", subcore_axis_name="s")

    @functools.partial(
        pl.kernel,
        mesh=mesh,
        out_type=(jax.ShapeDtypeStruct((E, D), jnp.float32),
                  jax.ShapeDtypeStruct((E, D), jnp.float32)),
        scratch_types=[
            pltpu.VMEM((EPT,), jnp.int32),
            pltpu.VMEM((RING, CH, D), jnp.float32),
            pltpu.VMEM_SHARED((N, D), jnp.float32),
            pltpu.SemaphoreType.DMA,
            pltpu.SemaphoreType.DMA,
        ],
    )
    def _sc_gather(pr4_hbm, ps4_hbm, recv2_hbm, send2_hbm, gr_hbm, gs_hbm,
                   idx_v, rbuf, table_sp, sem_g, sem_w):
        cid = lax.axis_index("c")
        sid = lax.axis_index("s")
        ebase = sid * EPT

        @pl.when(cid == 0)
        def _():
            pltpu.sync_copy(pr4_hbm.at[sid], table_sp.at[pl.ds(sid * RPT, RPT)])
            pltpu.sync_copy(recv2_hbm.at[sid], idx_v)

        @pl.when(cid == 1)
        def _():
            pltpu.sync_copy(ps4_hbm.at[sid], table_sp.at[pl.ds(sid * RPT, RPT)])
            pltpu.sync_copy(send2_hbm.at[sid], idx_v)

        plsc.subcore_barrier()

        def run(g_hbm):
            def issue_gather(c):
                sl = lax.rem(c, RING)
                pltpu.async_copy(table_sp.at[idx_v.at[pl.ds(c * CH, CH)]],
                                 rbuf.at[sl], sem_g)

            for c0 in range(PF):
                issue_gather(c0)

            def chunk(c, carry):
                sl = lax.rem(c, RING)
                pltpu.make_async_copy(table_sp.at[idx_v.at[pl.ds(0, CH)]],
                                      rbuf.at[sl], sem_g).wait()
                pltpu.async_copy(rbuf.at[sl],
                                 g_hbm.at[pl.ds(ebase + c * CH, CH)], sem_w)

                @pl.when(c + PF >= RING)
                def _():
                    off = ebase + (c + PF - RING) * CH
                    slp = lax.rem(c + PF, RING)
                    pltpu.make_async_copy(rbuf.at[slp],
                                          g_hbm.at[pl.ds(off, CH)],
                                          sem_w).wait()

                @pl.when(c + PF < NCHT)
                def _():
                    issue_gather(c + PF)

                return carry

            lax.fori_loop(0, NCHT, chunk, 0)

            for t in range(RING - PF):
                c = NCHT - (RING - PF) + t
                sl = c % RING
                pltpu.make_async_copy(rbuf.at[sl],
                                      g_hbm.at[pl.ds(ebase + c * CH, CH)],
                                      sem_w).wait()

        @pl.when(cid == 0)
        def _():
            run(gr_hbm)

        @pl.when(cid == 1)
        def _():
            run(gs_hbm)

    @functools.partial(
        pl.kernel,
        mesh=mesh,
        out_type=jax.ShapeDtypeStruct((NC, NS, RPT, D), jnp.float32),
        scratch_types=[
            pltpu.VMEM((SRING, SCH), jnp.int32),
            pltpu.VMEM((SRING, SCH, D), jnp.float32),
            pltpu.VMEM_SHARED((N, D), jnp.float32),
            pltpu.SemaphoreType.DMA,
            pltpu.SemaphoreType.DMA,
            pltpu.SemaphoreType.DMA,
        ],
    )
    def _sc_scatter(newe_hbm, recv3_hbm, zeros_hbm, out_hbm,
                    idx_v, rows, inbox_sh, sem_i, sem_l, sem_sc):
        cid = lax.axis_index("c")
        sid = lax.axis_index("s")
        wid = sid * NC + cid
        ebase = wid * EPW

        pltpu.sync_copy(zeros_hbm, inbox_sh.at[pl.ds(sid * RPT, RPT)])
        plsc.subcore_barrier()

        def issue_loads(c):
            sl = lax.rem(c, SRING)
            pltpu.async_copy(recv3_hbm.at[wid, c], idx_v.at[sl], sem_i)
            pltpu.async_copy(newe_hbm.at[pl.ds(ebase + c * SCH, SCH)],
                             rows.at[sl], sem_l)

        for c0 in range(SPF):
            issue_loads(c0)

        def chunk(c, carry):
            sl = lax.rem(c, SRING)
            pltpu.make_async_copy(recv3_hbm.at[wid, c], idx_v.at[sl],
                                  sem_i).wait()
            pltpu.make_async_copy(newe_hbm.at[pl.ds(ebase + c * SCH, SCH)],
                                  rows.at[sl], sem_l).wait()
            pltpu.async_copy(rows.at[sl], inbox_sh.at[idx_v.at[sl]], sem_sc,
                             add=True)

            @pl.when(c + SPF >= SRING)
            def _():
                slp = lax.rem(c + SPF, SRING)
                pltpu.make_async_copy(rows.at[slp],
                                      inbox_sh.at[idx_v.at[slp]],
                                      sem_sc).wait()

            @pl.when(c + SPF < SNCH)
            def _():
                issue_loads(c + SPF)

            return carry

        lax.fori_loop(0, SNCH, chunk, 0)

        for t in range(SRING - SPF):
            c = SNCH - (SRING - SPF) + t
            sl = c % SRING
            pltpu.make_async_copy(rows.at[sl], inbox_sh.at[idx_v.at[sl]],
                                  sem_sc).wait()

        plsc.subcore_barrier()
        pltpu.sync_copy(inbox_sh.at[pl.ds(sid * RPT, RPT)],
                        out_hbm.at[cid, sid])

    return _sc_gather, _sc_scatter



def _prep_body(x_ref, wr_ref, ws_ref, pr_ref, ps_ref):
    x = x_ref[...]
    pr_ref[...] = jnp.dot(x, wr_ref[...], preferred_element_type=jnp.float32)
    ps_ref[...] = jnp.dot(x, ws_ref[...], preferred_element_type=jnp.float32)


def _edge_body(e_ref, gr_ref, gs_ref, w1e_ref, b1_ref, w2_ref, b2_ref, out_ref):
    acc = jnp.dot(e_ref[...], w1e_ref[...], preferred_element_type=jnp.float32)
    h = jnp.maximum(acc + gr_ref[...] + gs_ref[...] + b1_ref[...], 0.0)
    out_ref[...] = jnp.dot(h, w2_ref[...], preferred_element_type=jnp.float32) + b2_ref[...]


def _node_body(x_ref, i0_ref, i1_ref, wa_ref, wb_ref, b1_ref, w2_ref, b2_ref, out_ref):
    x = x_ref[...]
    inbox = i0_ref[...] + i1_ref[...]
    h = jnp.maximum(
        jnp.dot(x, wa_ref[...], preferred_element_type=jnp.float32)
        + jnp.dot(inbox, wb_ref[...], preferred_element_type=jnp.float32)
        + b1_ref[...], 0.0)
    out_ref[...] = x + jnp.dot(h, w2_ref[...], preferred_element_type=jnp.float32) + b2_ref[...]


BE = 2560


def kernel(nodes, edges, senders, receivers, edge_W1, edge_b1, edge_W2, edge_b2,
           node_W1, node_b1, node_W2, node_b2):
    x = nodes.reshape(N, D)
    e = edges.reshape(E, D)
    recv = receivers.astype(jnp.int32)
    send = senders.astype(jnp.int32)
    recv2 = recv.reshape(NS, EPT)
    send2 = send.reshape(NS, EPT)
    recv3 = recv.reshape(NW, SNCH, SCH)

    w1e = edge_W1[:D]
    w1r = edge_W1[D:2 * D]
    w1s = edge_W1[2 * D:]
    wn1a = node_W1[:D]
    wn1b = node_W1[D:]

    p_r, p_s = pl.pallas_call(
        _prep_body,
        out_shape=(jax.ShapeDtypeStruct((N, D), jnp.float32),
                   jax.ShapeDtypeStruct((N, D), jnp.float32)),
    )(x, w1r, w1s)

    sc_gather, sc_scatter = _build_sc_kernels()
    g_r, g_s = sc_gather(p_r.reshape(NS, RPT, D), p_s.reshape(NS, RPT, D),
                         recv2, send2)

    b1r = edge_b1.reshape(1, D)
    b2r = edge_b2.reshape(1, D)
    new_edges = pl.pallas_call(
        _edge_body,
        grid=(E // BE,),
        in_specs=[
            pl.BlockSpec((BE, D), lambda i: (i, 0)),
            pl.BlockSpec((BE, D), lambda i: (i, 0)),
            pl.BlockSpec((BE, D), lambda i: (i, 0)),
            pl.BlockSpec((D, D), lambda i: (0, 0)),
            pl.BlockSpec((1, D), lambda i: (0, 0)),
            pl.BlockSpec((D, D), lambda i: (0, 0)),
            pl.BlockSpec((1, D), lambda i: (0, 0)),
        ],
        out_specs=pl.BlockSpec((BE, D), lambda i: (i, 0)),
        out_shape=jax.ShapeDtypeStruct((E, D), jnp.float32),
    )(e, g_r, g_s, w1e, b1r, edge_W2, b2r)

    zrows = jnp.zeros((RPT, D), jnp.float32)
    partials = sc_scatter(new_edges, recv3, zrows).reshape(NC, N, D)

    bn1r = node_b1.reshape(1, D)
    bn2r = node_b2.reshape(1, D)
    BN = 2000
    new_nodes = pl.pallas_call(
        _node_body,
        grid=(N // BN,),
        in_specs=[
            pl.BlockSpec((BN, D), lambda i: (i, 0)),
            pl.BlockSpec((BN, D), lambda i: (i, 0)),
            pl.BlockSpec((BN, D), lambda i: (i, 0)),
            pl.BlockSpec((D, D), lambda i: (0, 0)),
            pl.BlockSpec((D, D), lambda i: (0, 0)),
            pl.BlockSpec((1, D), lambda i: (0, 0)),
            pl.BlockSpec((D, D), lambda i: (0, 0)),
            pl.BlockSpec((1, D), lambda i: (0, 0)),
        ],
        out_specs=pl.BlockSpec((BN, D), lambda i: (i, 0)),
        out_shape=jax.ShapeDtypeStruct((N, D), jnp.float32),
    )(x, partials[0], partials[1], wn1a, wn1b, bn1r, node_W2, bn2r)

    return (new_nodes.reshape(1, N, D), new_edges.reshape(1, E, D))

# --- scband reference (transcript-rebuilt; emitter-appended) ---
"""Pipeline reference for scband-gen-32830730011096 (READ-ONLY COPY).

The authoritative reference and input builder live on the scoring server;
editing this copy changes nothing except your own understanding.
"""

import jax, jax.numpy as jnp
import numpy as np

N, E, D = 10000, 320000, 128


def mlp(x, Ws, bs):
    # MLP(in, out, hidden, l=2): Linear(in,hidden) -> ReLU -> Linear(hidden,out)
    for i, (W, b) in enumerate(zip(Ws, bs)):
        x = x @ W + b
        if i < len(Ws) - 1:
            x = jax.nn.relu(x)
    return x


def setup_inputs(seed: int = 0):
    key = jax.random.key(seed)
    ks = jax.random.split(key, 12)
    nodes = jax.random.normal(ks[0], (1, N, D), dtype=jnp.float32)
    edges = jax.random.normal(ks[1], (1, E, D), dtype=jnp.float32)
    senders = jax.random.randint(ks[2], (E,), 0, N)
    receivers = jax.random.randint(ks[3], (E,), 0, N)
    s = 0.05
    return {
        "nodes": nodes,
        "edges": edges,
        "senders": senders,
        "receivers": receivers,
        "edge_W1": jax.random.normal(ks[4], (3 * D, D), dtype=jnp.float32) * s,
        "edge_b1": jnp.zeros((D,), dtype=jnp.float32),
        "edge_W2": jax.random.normal(ks[5], (D, D), dtype=jnp.float32) * s,
        "edge_b2": jnp.zeros((D,), dtype=jnp.float32),
        "node_W1": jax.random.normal(ks[6], (2 * D, D), dtype=jnp.float32) * s,
        "node_b1": jnp.zeros((D,), dtype=jnp.float32),
        "node_W2": jax.random.normal(ks[7], (D, D), dtype=jnp.float32) * s,
        "node_b2": jnp.zeros((D,), dtype=jnp.float32),
    }


def reference(nodes, edges, senders, receivers, edge_W1, edge_b1, edge_W2, edge_b2, node_W1, node_b1, node_W2, node_b2):
    # edge update: MLP([edges, nodes[:, receivers], nodes[:, senders]])
    recv_feat = jnp.take(nodes, receivers, axis=1)
    send_feat = jnp.take(nodes, senders, axis=1)
    e_in = jnp.concatenate((edges, recv_feat, send_feat), axis=-1)
    new_edges = mlp(e_in, [edge_W1, edge_W2], [edge_b1, edge_b2])
    # aggregate: inbox = zeros_like(nodes).index_add(dim=1, receivers, new_edges)
    inbox = jnp.zeros(nodes.shape, dtype=nodes.dtype).at[:, receivers].add(new_edges)
    # node update with residual
    n_in = jnp.concatenate((nodes, inbox), axis=-1)
    new_nodes = nodes + mlp(n_in, [node_W1, node_W2], [node_b1, node_b2])
    return (new_nodes, new_edges)

if __name__ == "__main__":
    import jax
    _d = setup_inputs()
    print(jax.jit(kernel)(*tuple(_d.values())))

</pallas_src>

<mosaic_0001>
#map = affine_map<(d0, d1) -> (0, 0)>
#map1 = affine_map<(d0, d1) -> (0, 0, 0)>
#map2 = affine_map<(d0, d1) -> (0, 0, 0, 0)>
module attributes {stable_mosaic.version = 14 : i64} {
  func.func @_sc_scatter(%arg0: i32, %arg1: i32, %arg2: memref<320000x128xf32, #tpu.memory_space<hbm>>, %arg3: memref<32x125x80xi32, #tpu.memory_space<hbm>>, %arg4: memref<625x128xf32, #tpu.memory_space<hbm>>, %arg5: memref<2x16x625x128xf32, #tpu.memory_space<hbm>>, %arg6: memref<4x80xi32, #tpu.memory_space<vmem>>, %arg7: memref<4x80x128xf32, #tpu.memory_space<vmem>>, %arg8: memref<10000x128xf32, #tpu.memory_space<vmem_shared>>, %arg9: memref<!tpu.dma_semaphore, #tpu.memory_space<semaphore_mem>>, %arg10: memref<!tpu.dma_semaphore, #tpu.memory_space<semaphore_mem>>, %arg11: memref<!tpu.dma_semaphore, #tpu.memory_space<semaphore_mem>>) attributes {dimension_semantics = [#tpu.dimension_semantics<core_parallel>, #tpu.dimension_semantics<subcore_parallel>], iteration_bounds = array<i64: 2, 16>, scalar_prefetch = 0 : i64, scratch_operands = 6 : i64, tpu.core_type = #tpu.core_type<sc_vector_subcore>, window_params = [{transform_indices = #map}, {transform_indices = #map1}, {transform_indices = #map}, {transform_indices = #map2}]} {
    %mul3A = arith.constant 2 : i32
    %mul3A_0 = arith.muli %arg1, %mul3A : i32
    %add3A = arith.addi %mul3A_0, %arg0 : i32
    %mul3A_1 = arith.constant 10000 : i32
    %mul3A_2 = arith.muli %add3A, %mul3A_1 : i32
    %mul3A_3 = arith.constant 625 : i32
    %mul3A_4 = arith.muli %arg1, %mul3A_3 : i32
    "tpu.region"() ({
      %run_scoped3A = tpu.sem_alloc : memref<!tpu.dma_semaphore, #tpu.memory_space<semaphore_mem>>
      %dma_start3A_94 = arith.constant 0 : i32
      %dma_start3A_95 = tpu.memref_slice %arg8[%mul3A_4, %dma_start3A_94] : memref<10000x128xf32, #tpu.memory_space<vmem_shared>> -> memref<625x128xf32, #tpu.memory_space<vmem_shared>>
      tpu.enqueue_dma source(%arg4 : memref<625x128xf32, #tpu.memory_space<hbm>>) target(%dma_start3A_95 : memref<625x128xf32, #tpu.memory_space<vmem_shared>>) target_semaphore(%run_scoped3A : memref<!tpu.dma_semaphore, #tpu.memory_space<semaphore_mem>>)
      %dma_wait3A_96 = arith.constant 0 : i32
      %dma_wait3A_97 = tpu.memref_slice %arg8[%mul3A_4, %dma_wait3A_96] : memref<10000x128xf32, #tpu.memory_space<vmem_shared>> -> memref<625x128xf32, #tpu.memory_space<vmem_shared>>
      tpu.wait_dma2 semaphore(%run_scoped3A : memref<!tpu.dma_semaphore, #tpu.memory_space<semaphore_mem>>) src(%arg4 : memref<625x128xf32, #tpu.memory_space<hbm>>) dst(%dma_wait3A_97 : memref<625x128xf32, #tpu.memory_space<vmem_shared>>)
      tpu.yield
    }) : () -> ()
    %barrier3A = arith.constant 0 : index
    tpu.barrier barrier_id(%barrier3A)
    %rem3A = arith.constant 0 : i32
    %rem3A_5 = arith.constant 4 : i32
    %rem3A_6 = arith.remsi %rem3A, %rem3A_5 : i32
    %dma_start3A = arith.constant 0 : i32
    %dma_start3A_7 = arith.constant 0 : i32
    %dma_start3A_8 = tpu.memref_slice %arg6[%rem3A_6, %dma_start3A_7] : memref<4x80xi32, #tpu.memory_space<vmem>> -> memref<1x80xi32, #tpu.memory_space<vmem>>
    %dma_start3A_9 = tpu.memref_squeeze %dma_start3A_8 : memref<1x80xi32, #tpu.memory_space<vmem>> -> memref<80xi32, #tpu.memory_space<vmem>>
    %dma_start3A_10 = arith.constant 0 : i32
    %dma_start3A_11 = tpu.memref_slice %arg3[%add3A, %dma_start3A, %dma_start3A_10] : memref<32x125x80xi32, #tpu.memory_space<hbm>> -> memref<1x1x80xi32, #tpu.memory_space<hbm>>
    %dma_start3A_12 = tpu.memref_squeeze %dma_start3A_11 : memref<1x1x80xi32, #tpu.memory_space<hbm>> -> memref<80xi32, #tpu.memory_space<hbm>>
    %dma_start3A_13 = arith.constant 0 : i32
    %dma_start3A_14 = tpu.memref_slice %arg6[%rem3A_6, %dma_start3A_13] : memref<4x80xi32, #tpu.memory_space<vmem>> -> memref<1x80xi32, #tpu.memory_space<vmem>>
    %dma_start3A_15 = tpu.memref_squeeze %dma_start3A_14 : memref<1x80xi32, #tpu.memory_space<vmem>> -> memref<80xi32, #tpu.memory_space<vmem>>
    %dma_start3A_16 = arith.constant 0 : i32
    %dma_start3A_17 = tpu.memref_slice %arg3[%add3A, %dma_start3A, %dma_start3A_16] : memref<32x125x80xi32, #tpu.memory_space<hbm>> -> memref<1x1x80xi32, #tpu.memory_space<hbm>>
    %dma_start3A_18 = tpu.memref_squeeze %dma_start3A_17 : memref<1x1x80xi32, #tpu.memory_space<hbm>> -> memref<80xi32, #tpu.memory_space<hbm>>
    tpu.enqueue_dma source(%dma_start3A_18 : memref<80xi32, #tpu.memory_space<hbm>>) target(%dma_start3A_15 : memref<80xi32, #tpu.memory_space<vmem>>) target_semaphore(%arg9 : memref<!tpu.dma_semaphore, #tpu.memory_space<semaphore_mem>>)
    %add3A_19 = arith.constant 0 : i32
    %add3A_20 = arith.addi %mul3A_2, %add3A_19 : i32
    %dma_start3A_21 = arith.constant 0 : i32
    %dma_start3A_22 = arith.constant 0 : i32
    %dma_start3A_23 = tpu.memref_slice %arg7[%rem3A_6, %dma_start3A_21, %dma_start3A_22] : memref<4x80x128xf32, #tpu.memory_space<vmem>> -> memref<1x80x128xf32, #tpu.memory_space<vmem>>
    %dma_start3A_24 = tpu.memref_squeeze %dma_start3A_23 : memref<1x80x128xf32, #tpu.memory_space<vmem>> -> memref<80x128xf32, #tpu.memory_space<vmem>>
    %dma_start3A_25 = arith.constant 0 : i32
    %dma_start3A_26 = tpu.memref_slice %arg2[%add3A_20, %dma_start3A_25] : memref<320000x128xf32, #tpu.memory_space<hbm>> -> memref<80x128xf32, #tpu.memory_space<hbm>>
    %dma_start3A_27 = arith.constant 0 : i32
    %dma_start3A_28 = arith.constant 0 : i32
    %dma_start3A_29 = tpu.memref_slice %arg7[%rem3A_6, %dma_start3A_27, %dma_start3A_28] : memref<4x80x128xf32, #tpu.memory_space<vmem>> -> memref<1x80x128xf32, #tpu.memory_space<vmem>>
    %dma_start3A_30 = tpu.memref_squeeze %dma_start3A_29 : memref<1x80x128xf32, #tpu.memory_space<vmem>> -> memref<80x128xf32, #tpu.memory_space<vmem>>
    %dma_start3A_31 = arith.constant 0 : i32
    %dma_start3A_32 = tpu.memref_slice %arg2[%add3A_20, %dma_start3A_31] : memref<320000x128xf32, #tpu.memory_space<hbm>> -> memref<80x128xf32, #tpu.memory_space<hbm>>
    tpu.enqueue_dma source(%dma_start3A_32 : memref<80x128xf32, #tpu.memory_space<hbm>>) target(%dma_start3A_30 : memref<80x128xf32, #tpu.memory_space<vmem>>) target_semaphore(%arg10 : memref<!tpu.dma_semaphore, #tpu.memory_space<semaphore_mem>>)
    %rem3A_33 = arith.constant 1 : i32
    %rem3A_34 = arith.constant 4 : i32
    %rem3A_35 = arith.remsi %rem3A_33, %rem3A_34 : i32
    %dma_start3A_36 = arith.constant 1 : i32
    %dma_start3A_37 = arith.constant 0 : i32
    %dma_start3A_38 = tpu.memref_slice %arg6[%rem3A_35, %dma_start3A_37] : memref<4x80xi32, #tpu.memory_space<vmem>> -> memref<1x80xi32, #tpu.memory_space<vmem>>
    %dma_start3A_39 = tpu.memref_squeeze %dma_start3A_38 : memref<1x80xi32, #tpu.memory_space<vmem>> -> memref<80xi32, #tpu.memory_space<vmem>>
    %dma_start3A_40 = arith.constant 0 : i32
    %dma_start3A_41 = tpu.memref_slice %arg3[%add3A, %dma_start3A_36, %dma_start3A_40] : memref<32x125x80xi32, #tpu.memory_space<hbm>> -> memref<1x1x80xi32, #tpu.memory_space<hbm>>
    %dma_start3A_42 = tpu.memref_squeeze %dma_start3A_41 : memref<1x1x80xi32, #tpu.memory_space<hbm>> -> memref<80xi32, #tpu.memory_space<hbm>>
    %dma_start3A_43 = arith.constant 0 : i32
    %dma_start3A_44 = tpu.memref_slice %arg6[%rem3A_35, %dma_start3A_43] : memref<4x80xi32, #tpu.memory_space<vmem>> -> memref<1x80xi32, #tpu.memory_space<vmem>>
    %dma_start3A_45 = tpu.memref_squeeze %dma_start3A_44 : memref<1x80xi32, #tpu.memory_space<vmem>> -> memref<80xi32, #tpu.memory_space<vmem>>
    %dma_start3A_46 = arith.constant 0 : i32
    %dma_start3A_47 = tpu.memref_slice %arg3[%add3A, %dma_start3A_36, %dma_start3A_46] : memref<32x125x80xi32, #tpu.memory_space<hbm>> -> memref<1x1x80xi32, #tpu.memory_space<hbm>>
    %dma_start3A_48 = tpu.memref_squeeze %dma_start3A_47 : memref<1x1x80xi32, #tpu.memory_space<hbm>> -> memref<80xi32, #tpu.memory_space<hbm>>
    tpu.enqueue_dma source(%dma_start3A_48 : memref<80xi32, #tpu.memory_space<hbm>>) target(%dma_start3A_45 : memref<80xi32, #tpu.memory_space<vmem>>) target_semaphore(%arg9 : memref<!tpu.dma_semaphore, #tpu.memory_space<semaphore_mem>>)
    %add3A_49 = arith.constant 80 : i32
    %add3A_50 = arith.addi %mul3A_2, %add3A_49 : i32
    %dma_start3A_51 = arith.constant 0 : i32
    %dma_start3A_52 = arith.constant 0 : i32
    %dma_start3A_53 = tpu.memref_slice %arg7[%rem3A_35, %dma_start3A_51, %dma_start3A_52] : memref<4x80x128xf32, #tpu.memory_space<vmem>> -> memref<1x80x128xf32, #tpu.memory_space<vmem>>
    %dma_start3A_54 = tpu.memref_squeeze %dma_start3A_53 : memref<1x80x128xf32, #tpu.memory_space<vmem>> -> memref<80x128xf32, #tpu.memory_space<vmem>>
    %dma_start3A_55 = arith.constant 0 : i32
    %dma_start3A_56 = tpu.memref_slice %arg2[%add3A_50, %dma_start3A_55] : memref<320000x128xf32, #tpu.memory_space<hbm>> -> memref<80x128xf32, #tpu.memory_space<hbm>>
    %dma_start3A_57 = arith.constant 0 : i32
    %dma_start3A_58 = arith.constant 0 : i32
    %dma_start3A_59 = tpu.memref_slice %arg7[%rem3A_35, %dma_start3A_57, %dma_start3A_58] : memref<4x80x128xf32, #tpu.memory_space<vmem>> -> memref<1x80x128xf32, #tpu.memory_space<vmem>>
    %dma_start3A_60 = tpu.memref_squeeze %dma_start3A_59 : memref<1x80x128xf32, #tpu.memory_space<vmem>> -> memref<80x128xf32, #tpu.memory_space<vmem>>
    %dma_start3A_61 = arith.constant 0 : i32
    %dma_start3A_62 = tpu.memref_slice %arg2[%add3A_50, %dma_start3A_61] : memref<320000x128xf32, #tpu.memory_space<hbm>> -> memref<80x128xf32, #tpu.memory_space<hbm>>
    tpu.enqueue_dma source(%dma_start3A_62 : memref<80x128xf32, #tpu.memory_space<hbm>>) target(%dma_start3A_60 : memref<80x128xf32, #tpu.memory_space<vmem>>) target_semaphore(%arg10 : memref<!tpu.dma_semaphore, #tpu.memory_space<semaphore_mem>>)
    %scan3A = arith.constant 0 : i32
    %scan3A_63 = arith.constant 0 : i32
    %scan3A_64 = arith.constant 125 : i32
    %scan3A_65 = arith.addi %scan3A_63, %scan3A_64 : i32
    %scan3A_66 = arith.constant 1 : i32
    scf.for %scan3A_94 = %scan3A_63 to %scan3A_65 step %scan3A_66  : i32 {
      %rem3A_95 = arith.constant 4 : i32
      %rem3A_96 = arith.remsi %scan3A_94, %rem3A_95 : i32
      %dma_wait3A_97 = arith.constant 0 : i32
      %dma_wait3A_98 = tpu.memref_slice %arg6[%rem3A_96, %dma_wait3A_97] : memref<4x80xi32, #tpu.memory_space<vmem>> -> memref<1x80xi32, #tpu.memory_space<vmem>>
      %dma_wait3A_99 = tpu.memref_squeeze %dma_wait3A_98 : memref<1x80xi32, #tpu.memory_space<vmem>> -> memref<80xi32, #tpu.memory_space<vmem>>
      %dma_wait3A_100 = arith.constant 0 : i32
      %dma_wait3A_101 = tpu.memref_slice %arg3[%add3A, %scan3A_94, %dma_wait3A_100] : memref<32x125x80xi32, #tpu.memory_space<hbm>> -> memref<1x1x80xi32, #tpu.memory_space<hbm>>
      %dma_wait3A_102 = tpu.memref_squeeze %dma_wait3A_101 : memref<1x1x80xi32, #tpu.memory_space<hbm>> -> memref<80xi32, #tpu.memory_space<hbm>>
      %dma_wait3A_103 = arith.constant 0 : i32
      %dma_wait3A_104 = tpu.memref_slice %arg6[%rem3A_96, %dma_wait3A_103] : memref<4x80xi32, #tpu.memory_space<vmem>> -> memref<1x80xi32, #tpu.memory_space<vmem>>
      %dma_wait3A_105 = tpu.memref_squeeze %dma_wait3A_104 : memref<1x80xi32, #tpu.memory_space<vmem>> -> memref<80xi32, #tpu.memory_space<vmem>>
      %dma_wait3A_106 = arith.constant 0 : i32
      %dma_wait3A_107 = tpu.memref_slice %arg3[%add3A, %scan3A_94, %dma_wait3A_106] : memref<32x125x80xi32, #tpu.memory_space<hbm>> -> memref<1x1x80xi32, #tpu.memory_space<hbm>>
      %dma_wait3A_108 = tpu.memref_squeeze %dma_wait3A_107 : memref<1x1x80xi32, #tpu.memory_space<hbm>> -> memref<80xi32, #tpu.memory_space<hbm>>
      tpu.wait_dma2 semaphore(%arg9 : memref<!tpu.dma_semaphore, #tpu.memory_space<semaphore_mem>>) src(%dma_wait3A_108 : memref<80xi32, #tpu.memory_space<hbm>>) dst(%dma_wait3A_105 : memref<80xi32, #tpu.memory_space<vmem>>)
      %mul3A_109 = arith.constant 80 : i32
      %mul3A_110 = arith.muli %scan3A_94, %mul3A_109 : i32
      %add3A_111 = arith.addi %mul3A_2, %mul3A_110 : i32
      %dma_wait3A_112 = arith.constant 0 : i32
      %dma_wait3A_113 = arith.constant 0 : i32
      %dma_wait3A_114 = tpu.memref_slice %arg7[%rem3A_96, %dma_wait3A_112, %dma_wait3A_113] : memref<4x80x128xf32, #tpu.memory_space<vmem>> -> memref<1x80x128xf32, #tpu.memory_space<vmem>>
      %dma_wait3A_115 = tpu.memref_squeeze %dma_wait3A_114 : memref<1x80x128xf32, #tpu.memory_space<vmem>> -> memref<80x128xf32, #tpu.memory_space<vmem>>
      %dma_wait3A_116 = arith.constant 0 : i32
      %dma_wait3A_117 = tpu.memref_slice %arg2[%add3A_111, %dma_wait3A_116] : memref<320000x128xf32, #tpu.memory_space<hbm>> -> memref<80x128xf32, #tpu.memory_space<hbm>>
      %dma_wait3A_118 = arith.constant 0 : i32
      %dma_wait3A_119 = arith.constant 0 : i32
      %dma_wait3A_120 = tpu.memref_slice %arg7[%rem3A_96, %dma_wait3A_118, %dma_wait3A_119] : memref<4x80x128xf32, #tpu.memory_space<vmem>> -> memref<1x80x128xf32, #tpu.memory_space<vmem>>
      %dma_wait3A_121 = tpu.memref_squeeze %dma_wait3A_120 : memref<1x80x128xf32, #tpu.memory_space<vmem>> -> memref<80x128xf32, #tpu.memory_space<vmem>>
      %dma_wait3A_122 = arith.constant 0 : i32
      %dma_wait3A_123 = tpu.memref_slice %arg2[%add3A_111, %dma_wait3A_122] : memref<320000x128xf32, #tpu.memory_space<hbm>> -> memref<80x128xf32, #tpu.memory_space<hbm>>
      tpu.wait_dma2 semaphore(%arg10 : memref<!tpu.dma_semaphore, #tpu.memory_space<semaphore_mem>>) src(%dma_wait3A_123 : memref<80x128xf32, #tpu.memory_space<hbm>>) dst(%dma_wait3A_121 : memref<80x128xf32, #tpu.memory_space<vmem>>)
      %dma_start3A_124 = arith.constant 0 : i32
      %dma_start3A_125 = arith.constant 0 : i32
      %dma_start3A_126 = tpu.memref_slice %arg7[%rem3A_96, %dma_start3A_124, %dma_start3A_125] : memref<4x80x128xf32, #tpu.memory_space<vmem>> -> memref<1x80x128xf32, #tpu.memory_space<vmem>>
      %dma_start3A_127 = tpu.memref_squeeze %dma_start3A_126 : memref<1x80x128xf32, #tpu.memory_space<vmem>> -> memref<80x128xf32, #tpu.memory_space<vmem>>
      %dma_start3A_128 = arith.constant 0 : i32
      %dma_start3A_129 = tpu.memref_slice %arg6[%rem3A_96, %dma_start3A_128] : memref<4x80xi32, #tpu.memory_space<vmem>> -> memref<1x80xi32, #tpu.memory_space<vmem>>
      %dma_start3A_130 = tpu.memref_squeeze %dma_start3A_129 : memref<1x80xi32, #tpu.memory_space<vmem>> -> memref<80xi32, #tpu.memory_space<vmem>>
      %dma_start3A_131 = arith.constant 0 : i32
      %dma_start3A_132 = arith.constant 0 : i32
      %dma_start3A_133 = tpu.memref_slice %arg8[%dma_start3A_131, %dma_start3A_132] : memref<10000x128xf32, #tpu.memory_space<vmem_shared>> -> memref<10000x128xf32, #tpu.memory_space<vmem_shared>>
      tpu.enqueue_indirect_dma source(%dma_start3A_127 : memref<80x128xf32, #tpu.memory_space<vmem>>) target(%dma_start3A_133 : memref<10000x128xf32, #tpu.memory_space<vmem_shared>>) offsets(%dma_start3A_130 : memref<80xi32, #tpu.memory_space<vmem>>) semaphore(%arg11 : memref<!tpu.dma_semaphore, #tpu.memory_space<semaphore_mem>>) {add = true}
      %add3A_134 = arith.constant 2 : i32
      %add3A_135 = arith.addi %scan3A_94, %add3A_134 : i32
      %ge3A = arith.constant 4 : i32
      %ge3A_136 = arith.cmpi sge, %add3A_135, %ge3A : i32
      %convert_element_type3A = arith.extui %ge3A_136 : i1 to i32
      %cond3A = arith.constant 0 : i32
      %cond3A_137 = arith.cmpi ne, %convert_element_type3A, %cond3A : i32
      scf.if %cond3A_137 {
        %add3A_144 = arith.constant 2 : i32
        %add3A_145 = arith.addi %scan3A_94, %add3A_144 : i32
        %rem3A_146 = arith.constant 4 : i32
        %rem3A_147 = arith.remsi %add3A_145, %rem3A_146 : i32
        %dma_wait3A_148 = arith.constant 0 : i32
        %dma_wait3A_149 = arith.constant 0 : i32
        %dma_wait3A_150 = tpu.memref_slice %arg7[%rem3A_147, %dma_wait3A_148, %dma_wait3A_149] : memref<4x80x128xf32, #tpu.memory_space<vmem>> -> memref<1x80x128xf32, #tpu.memory_space<vmem>>
        %dma_wait3A_151 = tpu.memref_squeeze %dma_wait3A_150 : memref<1x80x128xf32, #tpu.memory_space<vmem>> -> memref<80x128xf32, #tpu.memory_space<vmem>>
        %dma_wait3A_152 = arith.constant 0 : i32
        %dma_wait3A_153 = tpu.memref_slice %arg6[%rem3A_147, %dma_wait3A_152] : memref<4x80xi32, #tpu.memory_space<vmem>> -> memref<1x80xi32, #tpu.memory_space<vmem>>
        %dma_wait3A_154 = tpu.memref_squeeze %dma_wait3A_153 : memref<1x80xi32, #tpu.memory_space<vmem>> -> memref<80xi32, #tpu.memory_space<vmem>>
        %dma_wait3A_155 = arith.constant 0 : i32
        %dma_wait3A_156 = arith.constant 0 : i32
        %dma_wait3A_157 = tpu.memref_slice %arg8[%dma_wait3A_155, %dma_wait3A_156] : memref<10000x128xf32, #tpu.memory_space<vmem_shared>> -> memref<10000x128xf32, #tpu.memory_space<vmem_shared>>
        tpu.wait_indirect_dma semaphore(%arg11 : memref<!tpu.dma_semaphore, #tpu.memory_space<semaphore_mem>>) src(%dma_wait3A_151 : memref<80x128xf32, #tpu.memory_space<vmem>>) dst(%dma_wait3A_157 : memref<10000x128xf32, #tpu.memory_space<vmem_shared>>)
      } else {
      }
      %add3A_138 = arith.constant 2 : i32
      %add3A_139 = arith.addi %scan3A_94, %add3A_138 : i32
      %lt3A = arith.constant 125 : i32
      %lt3A_140 = arith.cmpi slt, %add3A_139, %lt3A : i32
      %convert_element_type3A_141 = arith.extui %lt3A_140 : i1 to i32
      %cond3A_142 = arith.constant 0 : i32
      %cond3A_143 = arith.cmpi ne, %convert_element_type3A_141, %cond3A_142 : i32
      scf.if %cond3A_143 {
        %add3A_144 = arith.constant 2 : i32
        %add3A_145 = arith.addi %scan3A_94, %add3A_144 : i32
        %rem3A_146 = arith.constant 4 : i32
        %rem3A_147 = arith.remsi %add3A_145, %rem3A_146 : i32
        %dma_start3A_148 = arith.constant 0 : i32
        %dma_start3A_149 = tpu.memref_slice %arg6[%rem3A_147, %dma_start3A_148] : memref<4x80xi32, #tpu.memory_space<vmem>> -> memref<1x80xi32, #tpu.memory_space<vmem>>
        %dma_start3A_150 = tpu.memref_squeeze %dma_start3A_149 : memref<1x80xi32, #tpu.memory_space<vmem>> -> memref<80xi32, #tpu.memory_space<vmem>>
        %dma_start3A_151 = arith.constant 0 : i32
        %dma_start3A_152 = tpu.memref_slice %arg3[%add3A, %add3A_145, %dma_start3A_151] : memref<32x125x80xi32, #tpu.memory_space<hbm>> -> memref<1x1x80xi32, #tpu.memory_space<hbm>>
        %dma_start3A_153 = tpu.memref_squeeze %dma_start3A_152 : memref<1x1x80xi32, #tpu.memory_space<hbm>> -> memref<80xi32, #tpu.memory_space<hbm>>
        %dma_start3A_154 = arith.constant 0 : i32
        %dma_start3A_155 = tpu.memref_slice %arg6[%rem3A_147, %dma_start3A_154] : memref<4x80xi32, #tpu.memory_space<vmem>> -> memref<1x80xi32, #tpu.memory_space<vmem>>
        %dma_start3A_156 = tpu.memref_squeeze %dma_start3A_155 : memref<1x80xi32, #tpu.memory_space<vmem>> -> memref<80xi32, #tpu.memory_space<vmem>>
        %dma_start3A_157 = arith.constant 0 : i32
        %dma_start3A_158 = tpu.memref_slice %arg3[%add3A, %add3A_145, %dma_start3A_157] : memref<32x125x80xi32, #tpu.memory_space<hbm>> -> memref<1x1x80xi32, #tpu.memory_space<hbm>>
        %dma_start3A_159 = tpu.memref_squeeze %dma_start3A_158 : memref<1x1x80xi32, #tpu.memory_space<hbm>> -> memref<80xi32, #tpu.memory_space<hbm>>
        tpu.enqueue_dma source(%dma_start3A_159 : memref<80xi32, #tpu.memory_space<hbm>>) target(%dma_start3A_156 : memref<80xi32, #tpu.memory_space<vmem>>) target_semaphore(%arg9 : memref<!tpu.dma_semaphore, #tpu.memory_space<semaphore_mem>>)
        %mul3A_160 = arith.constant 80 : i32
        %mul3A_161 = arith.muli %add3A_145, %mul3A_160 : i32
        %add3A_162 = arith.addi %mul3A_2, %mul3A_161 : i32
        %dma_start3A_163 = arith.constant 0 : i32
        %dma_start3A_164 = arith.constant 0 : i32
        %dma_start3A_165 = tpu.memref_slice %arg7[%rem3A_147, %dma_start3A_163, %dma_start3A_164] : memref<4x80x128xf32, #tpu.memory_space<vmem>> -> memref<1x80x128xf32, #tpu.memory_space<vmem>>
        %dma_start3A_166 = tpu.memref_squeeze %dma_start3A_165 : memref<1x80x128xf32, #tpu.memory_space<vmem>> -> memref<80x128xf32, #tpu.memory_space<vmem>>
        %dma_start3A_167 = arith.constant 0 : i32
        %dma_start3A_168 = tpu.memref_slice %arg2[%add3A_162, %dma_start3A_167] : memref<320000x128xf32, #tpu.memory_space<hbm>> -> memref<80x128xf32, #tpu.memory_space<hbm>>
        %dma_start3A_169 = arith.constant 0 : i32
        %dma_start3A_170 = arith.constant 0 : i32
        %dma_start3A_171 = tpu.memref_slice %arg7[%rem3A_147, %dma_start3A_169, %dma_start3A_170] : memref<4x80x128xf32, #tpu.memory_space<vmem>> -> memref<1x80x128xf32, #tpu.memory_space<vmem>>
        %dma_start3A_172 = tpu.memref_squeeze %dma_start3A_171 : memref<1x80x128xf32, #tpu.memory_space<vmem>> -> memref<80x128xf32, #tpu.memory_space<vmem>>
        %dma_start3A_173 = arith.constant 0 : i32
        %dma_start3A_174 = tpu.memref_slice %arg2[%add3A_162, %dma_start3A_173] : memref<320000x128xf32, #tpu.memory_space<hbm>> -> memref<80x128xf32, #tpu.memory_space<hbm>>
        tpu.enqueue_dma source(%dma_start3A_174 : memref<80x128xf32, #tpu.memory_space<hbm>>) target(%dma_start3A_172 : memref<80x128xf32, #tpu.memory_space<vmem>>) target_semaphore(%arg10 : memref<!tpu.dma_semaphore, #tpu.memory_space<semaphore_mem>>)
      } else {
      }
    }
    %scan3A_67 = arith.constant 125 : i32
    %dma_wait3A = arith.constant 3 : i32
    %dma_wait3A_68 = arith.constant 3 : i32
    %dma_wait3A_69 = arith.constant 0 : i32
    %dma_wait3A_70 = arith.constant 0 : i32
    %dma_wait3A_71 = tpu.memref_slice %arg7[%dma_wait3A, %dma_wait3A_69, %dma_wait3A_70] : memref<4x80x128xf32, #tpu.memory_space<vmem>> -> memref<1x80x128xf32, #tpu.memory_space<vmem>>
    %dma_wait3A_72 = tpu.memref_squeeze %dma_wait3A_71 : memref<1x80x128xf32, #tpu.memory_space<vmem>> -> memref<80x128xf32, #tpu.memory_space<vmem>>
    %dma_wait3A_73 = arith.constant 0 : i32
    %dma_wait3A_74 = tpu.memref_slice %arg6[%dma_wait3A_68, %dma_wait3A_73] : memref<4x80xi32, #tpu.memory_space<vmem>> -> memref<1x80xi32, #tpu.memory_space<vmem>>
    %dma_wait3A_75 = tpu.memref_squeeze %dma_wait3A_74 : memref<1x80xi32, #tpu.memory_space<vmem>> -> memref<80xi32, #tpu.memory_space<vmem>>
    %dma_wait3A_76 = arith.constant 0 : i32
    %dma_wait3A_77 = arith.constant 0 : i32
    %dma_wait3A_78 = tpu.memref_slice %arg8[%dma_wait3A_76, %dma_wait3A_77] : memref<10000x128xf32, #tpu.memory_space<vmem_shared>> -> memref<10000x128xf32, #tpu.memory_space<vmem_shared>>
    tpu.wait_indirect_dma semaphore(%arg11 : memref<!tpu.dma_semaphore, #tpu.memory_space<semaphore_mem>>) src(%dma_wait3A_72 : memref<80x128xf32, #tpu.memory_space<vmem>>) dst(%dma_wait3A_78 : memref<10000x128xf32, #tpu.memory_space<vmem_shared>>)
    %dma_wait3A_79 = arith.constant 0 : i32
    %dma_wait3A_80 = arith.constant 0 : i32
    %dma_wait3A_81 = arith.constant 0 : i32
    %dma_wait3A_82 = arith.constant 0 : i32
    %dma_wait3A_83 = tpu.memref_slice %arg7[%dma_wait3A_79, %dma_wait3A_81, %dma_wait3A_82] : memref<4x80x128xf32, #tpu.memory_space<vmem>> -> memref<1x80x128xf32, #tpu.memory_space<vmem>>
    %dma_wait3A_84 = tpu.memref_squeeze %dma_wait3A_83 : memref<1x80x128xf32, #tpu.memory_space<vmem>> -> memref<80x128xf32, #tpu.memory_space<vmem>>
    %dma_wait3A_85 = arith.constant 0 : i32
    %dma_wait3A_86 = tpu.memref_slice %arg6[%dma_wait3A_80, %dma_wait3A_85] : memref<4x80xi32, #tpu.memory_space<vmem>> -> memref<1x80xi32, #tpu.memory_space<vmem>>
    %dma_wait3A_87 = tpu.memref_squeeze %dma_wait3A_86 : memref<1x80xi32, #tpu.memory_space<vmem>> -> memref<80xi32, #tpu.memory_space<vmem>>
    %dma_wait3A_88 = arith.constant 0 : i32
    %dma_wait3A_89 = arith.constant 0 : i32
    %dma_wait3A_90 = tpu.memref_slice %arg8[%dma_wait3A_88, %dma_wait3A_89] : memref<10000x128xf32, #tpu.memory_space<vmem_shared>> -> memref<10000x128xf32, #tpu.memory_space<vmem_shared>>
    tpu.wait_indirect_dma semaphore(%arg11 : memref<!tpu.dma_semaphore, #tpu.memory_space<semaphore_mem>>) src(%dma_wait3A_84 : memref<80x128xf32, #tpu.memory_space<vmem>>) dst(%dma_wait3A_90 : memref<10000x128xf32, #tpu.memory_space<vmem_shared>>)
    %barrier3A_91 = arith.constant 0 : index
    tpu.barrier barrier_id(%barrier3A_91)
    %mul3A_92 = arith.constant 625 : i32
    %mul3A_93 = arith.muli %arg1, %mul3A_92 : i32
    "tpu.region"() ({
      %run_scoped3A = tpu.sem_alloc : memref<!tpu.dma_semaphore, #tpu.memory_space<semaphore_mem>>
      %dma_start3A_94 = arith.constant 0 : i32
      %dma_start3A_95 = arith.constant 0 : i32
      %dma_start3A_96 = tpu.memref_slice %arg5[%arg0, %arg1, %dma_start3A_94, %dma_start3A_95] : memref<2x16x625x128xf32, #tpu.memory_space<hbm>> -> memref<1x1x625x128xf32, #tpu.memory_space<hbm>>
      %dma_start3A_97 = tpu.memref_squeeze %dma_start3A_96 : memref<1x1x625x128xf32, #tpu.memory_space<hbm>> -> memref<625x128xf32, #tpu.memory_space<hbm>>
      %dma_start3A_98 = arith.constant 0 : i32
      %dma_start3A_99 = tpu.memref_slice %arg8[%mul3A_93, %dma_start3A_98] : memref<10000x128xf32, #tpu.memory_space<vmem_shared>> -> memref<625x128xf32, #tpu.memory_space<vmem_shared>>
      tpu.enqueue_dma source(%dma_start3A_99 : memref<625x128xf32, #tpu.memory_space<vmem_shared>>) target(%dma_start3A_97 : memref<625x128xf32, #tpu.memory_space<hbm>>) target_semaphore(%run_scoped3A : memref<!tpu.dma_semaphore, #tpu.memory_space<semaphore_mem>>)
      %dma_wait3A_100 = arith.constant 0 : i32
      %dma_wait3A_101 = arith.constant 0 : i32
      %dma_wait3A_102 = tpu.memref_slice %arg5[%arg0, %arg1, %dma_wait3A_100, %dma_wait3A_101] : memref<2x16x625x128xf32, #tpu.memory_space<hbm>> -> memref<1x1x625x128xf32, #tpu.memory_space<hbm>>
      %dma_wait3A_103 = tpu.memref_squeeze %dma_wait3A_102 : memref<1x1x625x128xf32, #tpu.memory_space<hbm>> -> memref<625x128xf32, #tpu.memory_space<hbm>>
      %dma_wait3A_104 = arith.constant 0 : i32
      %dma_wait3A_105 = tpu.memref_slice %arg8[%mul3A_93, %dma_wait3A_104] : memref<10000x128xf32, #tpu.memory_space<vmem_shared>> -> memref<625x128xf32, #tpu.memory_space<vmem_shared>>
      tpu.wait_dma2 semaphore(%run_scoped3A : memref<!tpu.dma_semaphore, #tpu.memory_space<semaphore_mem>>) src(%dma_wait3A_105 : memref<625x128xf32, #tpu.memory_space<vmem_shared>>) dst(%dma_wait3A_103 : memref<625x128xf32, #tpu.memory_space<hbm>>)
      tpu.yield
    }) : () -> ()
    return
  }
}

#map = affine_map<(d0, d1) -> (0, 0, 0)>
#map1 = affine_map<(d0, d1) -> (0, 0)>
module attributes {stable_mosaic.version = 14 : i64} {
  func.func @_sc_gather(%arg0: i32, %arg1: i32, %arg2: memref<16x625x128xf32, #tpu.memory_space<hbm>>, %arg3: memref<16x625x128xf32, #tpu.memory_space<hbm>>, %arg4: memref<16x20000xi32, #tpu.memory_space<hbm>>, %arg5: memref<16x20000xi32, #tpu.memory_space<hbm>>, %arg6: memref<320000x128xf32, #tpu.memory_space<hbm>>, %arg7: memref<320000x128xf32, #tpu.memory_space<hbm>>, %arg8: memref<20000xi32, #tpu.memory_space<vmem>>, %arg9: memref<3x80x128xf32, #tpu.memory_space<vmem>>, %arg10: memref<10000x128xf32, #tpu.memory_space<vmem_shared>>, %arg11: memref<!tpu.dma_semaphore, #tpu.memory_space<semaphore_mem>>, %arg12: memref<!tpu.dma_semaphore, #tpu.memory_space<semaphore_mem>>) attributes {dimension_semantics = [#tpu.dimension_semantics<core_parallel>, #tpu.dimension_semantics<subcore_parallel>], iteration_bounds = array<i64: 2, 16>, scalar_prefetch = 0 : i64, scratch_operands = 5 : i64, tpu.core_type = #tpu.core_type<sc_vector_subcore>, window_params = [{transform_indices = #map}, {transform_indices = #map}, {transform_indices = #map1}, {transform_indices = #map1}, {transform_indices = #map1}, {transform_indices = #map1}]} {
    %mul3A = arith.constant 20000 : i32
    %mul3A_0 = arith.muli %arg1, %mul3A : i32
    %eq3A = arith.constant 0 : i32
    %eq3A_1 = arith.cmpi eq, %arg0, %eq3A : i32
    %convert_element_type3A = arith.extui %eq3A_1 : i1 to i32
    %cond3A = arith.constant 0 : i32
    %cond3A_2 = arith.cmpi ne, %convert_element_type3A, %cond3A : i32
    scf.if %cond3A_2 {
      %mul3A_18 = arith.constant 625 : i32
      %mul3A_19 = arith.muli %arg1, %mul3A_18 : i32
      "tpu.region"() ({
        %run_scoped3A = tpu.sem_alloc : memref<!tpu.dma_semaphore, #tpu.memory_space<semaphore_mem>>
        %dma_start3A = arith.constant 0 : i32
        %dma_start3A_20 = tpu.memref_slice %arg10[%mul3A_19, %dma_start3A] : memref<10000x128xf32, #tpu.memory_space<vmem_shared>> -> memref<625x128xf32, #tpu.memory_space<vmem_shared>>
        %dma_start3A_21 = arith.constant 0 : i32
        %dma_start3A_22 = arith.constant 0 : i32
        %dma_start3A_23 = tpu.memref_slice %arg2[%arg1, %dma_start3A_21, %dma_start3A_22] : memref<16x625x128xf32, #tpu.memory_space<hbm>> -> memref<1x625x128xf32, #tpu.memory_space<hbm>>
        %dma_start3A_24 = tpu.memref_squeeze %dma_start3A_23 : memref<1x625x128xf32, #tpu.memory_space<hbm>> -> memref<625x128xf32, #tpu.memory_space<hbm>>
        tpu.enqueue_dma source(%dma_start3A_24 : memref<625x128xf32, #tpu.memory_space<hbm>>) target(%dma_start3A_20 : memref<625x128xf32, #tpu.memory_space<vmem_shared>>) target_semaphore(%run_scoped3A : memref<!tpu.dma_semaphore, #tpu.memory_space<semaphore_mem>>)
        %dma_wait3A = arith.constant 0 : i32
        %dma_wait3A_25 = tpu.memref_slice %arg10[%mul3A_19, %dma_wait3A] : memref<10000x128xf32, #tpu.memory_space<vmem_shared>> -> memref<625x128xf32, #tpu.memory_space<vmem_shared>>
        %dma_wait3A_26 = arith.constant 0 : i32
        %dma_wait3A_27 = arith.constant 0 : i32
        %dma_wait3A_28 = tpu.memref_slice %arg2[%arg1, %dma_wait3A_26, %dma_wait3A_27] : memref<16x625x128xf32, #tpu.memory_space<hbm>> -> memref<1x625x128xf32, #tpu.memory_space<hbm>>
        %dma_wait3A_29 = tpu.memref_squeeze %dma_wait3A_28 : memref<1x625x128xf32, #tpu.memory_space<hbm>> -> memref<625x128xf32, #tpu.memory_space<hbm>>
        tpu.wait_dma2 semaphore(%run_scoped3A : memref<!tpu.dma_semaphore, #tpu.memory_space<semaphore_mem>>) src(%dma_wait3A_29 : memref<625x128xf32, #tpu.memory_space<hbm>>) dst(%dma_wait3A_25 : memref<625x128xf32, #tpu.memory_space<vmem_shared>>)
        tpu.yield
      }) : () -> ()
      "tpu.region"() ({
        %run_scoped3A = tpu.sem_alloc : memref<!tpu.dma_semaphore, #tpu.memory_space<semaphore_mem>>
        %dma_start3A = arith.constant 0 : i32
        %dma_start3A_20 = tpu.memref_slice %arg4[%arg1, %dma_start3A] : memref<16x20000xi32, #tpu.memory_space<hbm>> -> memref<1x20000xi32, #tpu.memory_space<hbm>>
        %dma_start3A_21 = tpu.memref_squeeze %dma_start3A_20 : memref<1x20000xi32, #tpu.memory_space<hbm>> -> memref<20000xi32, #tpu.memory_space<hbm>>
        %dma_start3A_22 = arith.constant 0 : i32
        %dma_start3A_23 = tpu.memref_slice %arg4[%arg1, %dma_start3A_22] : memref<16x20000xi32, #tpu.memory_space<hbm>> -> memref<1x20000xi32, #tpu.memory_space<hbm>>
        %dma_start3A_24 = tpu.memref_squeeze %dma_start3A_23 : memref<1x20000xi32, #tpu.memory_space<hbm>> -> memref<20000xi32, #tpu.memory_space<hbm>>
        tpu.enqueue_dma source(%dma_start3A_24 : memref<20000xi32, #tpu.memory_space<hbm>>) target(%arg8 : memref<20000xi32, #tpu.memory_space<vmem>>) target_semaphore(%run_scoped3A : memref<!tpu.dma_semaphore, #tpu.memory_space<semaphore_mem>>)
        %dma_wait3A = arith.constant 0 : i32
        %dma_wait3A_25 = tpu.memref_slice %arg4[%arg1, %dma_wait3A] : memref<16x20000xi32, #tpu.memory_space<hbm>> -> memref<1x20000xi32, #tpu.memory_space<hbm>>
        %dma_wait3A_26 = tpu.memref_squeeze %dma_wait3A_25 : memref<1x20000xi32, #tpu.memory_space<hbm>> -> memref<20000xi32, #tpu.memory_space<hbm>>
        %dma_wait3A_27 = arith.constant 0 : i32
        %dma_wait3A_28 = tpu.memref_slice %arg4[%arg1, %dma_wait3A_27] : memref<16x20000xi32, #tpu.memory_space<hbm>> -> memref<1x20000xi32, #tpu.memory_space<hbm>>
        %dma_wait3A_29 = tpu.memref_squeeze %dma_wait3A_28 : memref<1x20000xi32, #tpu.memory_space<hbm>> -> memref<20000xi32, #tpu.memory_space<hbm>>
        tpu.wait_dma2 semaphore(%run_scoped3A : memref<!tpu.dma_semaphore, #tpu.memory_space<semaphore_mem>>) src(%dma_wait3A_29 : memref<20000xi32, #tpu.memory_space<hbm>>) dst(%arg8 : memref<20000xi32, #tpu.memory_space<vmem>>)
        tpu.yield
      }) : () -> ()
    } else {
    }
    %eq3A_3 = arith.constant 1 : i32
    %eq3A_4 = arith.cmpi eq, %arg0, %eq3A_3 : i32
    %convert_element_type3A_5 = arith.extui %eq3A_4 : i1 to i32
    %cond3A_6 = arith.constant 0 : i32
    %cond3A_7 = arith.cmpi ne, %convert_element_type3A_5, %cond3A_6 : i32
    scf.if %cond3A_7 {
      %mul3A_18 = arith.constant 625 : i32
      %mul3A_19 = arith.muli %arg1, %mul3A_18 : i32
      "tpu.region"() ({
        %run_scoped3A = tpu.sem_alloc : memref<!tpu.dma_semaphore, #tpu.memory_space<semaphore_mem>>
        %dma_start3A = arith.constant 0 : i32
        %dma_start3A_20 = tpu.memref_slice %arg10[%mul3A_19, %dma_start3A] : memref<10000x128xf32, #tpu.memory_space<vmem_shared>> -> memref<625x128xf32, #tpu.memory_space<vmem_shared>>
        %dma_start3A_21 = arith.constant 0 : i32
        %dma_start3A_22 = arith.constant 0 : i32
        %dma_start3A_23 = tpu.memref_slice %arg3[%arg1, %dma_start3A_21, %dma_start3A_22] : memref<16x625x128xf32, #tpu.memory_space<hbm>> -> memref<1x625x128xf32, #tpu.memory_space<hbm>>
        %dma_start3A_24 = tpu.memref_squeeze %dma_start3A_23 : memref<1x625x128xf32, #tpu.memory_space<hbm>> -> memref<625x128xf32, #tpu.memory_space<hbm>>
        tpu.enqueue_dma source(%dma_start3A_24 : memref<625x128xf32, #tpu.memory_space<hbm>>) target(%dma_start3A_20 : memref<625x128xf32, #tpu.memory_space<vmem_shared>>) target_semaphore(%run_scoped3A : memref<!tpu.dma_semaphore, #tpu.memory_space<semaphore_mem>>)
        %dma_wait3A = arith.constant 0 : i32
        %dma_wait3A_25 = tpu.memref_slice %arg10[%mul3A_19, %dma_wait3A] : memref<10000x128xf32, #tpu.memory_space<vmem_shared>> -> memref<625x128xf32, #tpu.memory_space<vmem_shared>>
        %dma_wait3A_26 = arith.constant 0 : i32
        %dma_wait3A_27 = arith.constant 0 : i32
        %dma_wait3A_28 = tpu.memref_slice %arg3[%arg1, %dma_wait3A_26, %dma_wait3A_27] : memref<16x625x128xf32, #tpu.memory_space<hbm>> -> memref<1x625x128xf32, #tpu.memory_space<hbm>>
        %dma_wait3A_29 = tpu.memref_squeeze %dma_wait3A_28 : memref<1x625x128xf32, #tpu.memory_space<hbm>> -> memref<625x128xf32, #tpu.memory_space<hbm>>
        tpu.wait_dma2 semaphore(%run_scoped3A : memref<!tpu.dma_semaphore, #tpu.memory_space<semaphore_mem>>) src(%dma_wait3A_29 : memref<625x128xf32, #tpu.memory_space<hbm>>) dst(%dma_wait3A_25 : memref<625x128xf32, #tpu.memory_space<vmem_shared>>)
        tpu.yield
      }) : () -> ()
      "tpu.region"() ({
        %run_scoped3A = tpu.sem_alloc : memref<!tpu.dma_semaphore, #tpu.memory_space<semaphore_mem>>
        %dma_start3A = arith.constant 0 : i32
        %dma_start3A_20 = tpu.memref_slice %arg5[%arg1, %dma_start3A] : memref<16x20000xi32, #tpu.memory_space<hbm>> -> memref<1x20000xi32, #tpu.memory_space<hbm>>
        %dma_start3A_21 = tpu.memref_squeeze %dma_start3A_20 : memref<1x20000xi32, #tpu.memory_space<hbm>> -> memref<20000xi32, #tpu.memory_space<hbm>>
        %dma_start3A_22 = arith.constant 0 : i32
        %dma_start3A_23 = tpu.memref_slice %arg5[%arg1, %dma_start3A_22] : memref<16x20000xi32, #tpu.memory_space<hbm>> -> memref<1x20000xi32, #tpu.memory_space<hbm>>
        %dma_start3A_24 = tpu.memref_squeeze %dma_start3A_23 : memref<1x20000xi32, #tpu.memory_space<hbm>> -> memref<20000xi32, #tpu.memory_space<hbm>>
        tpu.enqueue_dma source(%dma_start3A_24 : memref<20000xi32, #tpu.memory_space<hbm>>) target(%arg8 : memref<20000xi32, #tpu.memory_space<vmem>>) target_semaphore(%run_scoped3A : memref<!tpu.dma_semaphore, #tpu.memory_space<semaphore_mem>>)
        %dma_wait3A = arith.constant 0 : i32
        %dma_wait3A_25 = tpu.memref_slice %arg5[%arg1, %dma_wait3A] : memref<16x20000xi32, #tpu.memory_space<hbm>> -> memref<1x20000xi32, #tpu.memory_space<hbm>>
        %dma_wait3A_26 = tpu.memref_squeeze %dma_wait3A_25 : memref<1x20000xi32, #tpu.memory_space<hbm>> -> memref<20000xi32, #tpu.memory_space<hbm>>
        %dma_wait3A_27 = arith.constant 0 : i32
        %dma_wait3A_28 = tpu.memref_slice %arg5[%arg1, %dma_wait3A_27] : memref<16x20000xi32, #tpu.memory_space<hbm>> -> memref<1x20000xi32, #tpu.memory_space<hbm>>
        %dma_wait3A_29 = tpu.memref_squeeze %dma_wait3A_28 : memref<1x20000xi32, #tpu.memory_space<hbm>> -> memref<20000xi32, #tpu.memory_space<hbm>>
        tpu.wait_dma2 semaphore(%run_scoped3A : memref<!tpu.dma_semaphore, #tpu.memory_space<semaphore_mem>>) src(%dma_wait3A_29 : memref<20000xi32, #tpu.memory_space<hbm>>) dst(%arg8 : memref<20000xi32, #tpu.memory_space<vmem>>)
        tpu.yield
      }) : () -> ()
    } else {
    }
    %barrier3A = arith.constant 0 : index
    tpu.barrier barrier_id(%barrier3A)
    %eq3A_8 = arith.constant 0 : i32
    %eq3A_9 = arith.cmpi eq, %arg0, %eq3A_8 : i32
    %convert_element_type3A_10 = arith.extui %eq3A_9 : i1 to i32
    %cond3A_11 = arith.constant 0 : i32
    %cond3A_12 = arith.cmpi ne, %convert_element_type3A_10, %cond3A_11 : i32
    scf.if %cond3A_12 {
      %rem3A = arith.constant 0 : i32
      %rem3A_18 = arith.constant 3 : i32
      %rem3A_19 = arith.remsi %rem3A, %rem3A_18 : i32
      %dma_start3A = arith.constant 0 : i32
      %dma_start3A_20 = arith.constant 0 : i32
      %dma_start3A_21 = tpu.memref_slice %arg9[%rem3A_19, %dma_start3A, %dma_start3A_20] : memref<3x80x128xf32, #tpu.memory_space<vmem>> -> memref<1x80x128xf32, #tpu.memory_space<vmem>>
      %dma_start3A_22 = tpu.memref_squeeze %dma_start3A_21 : memref<1x80x128xf32, #tpu.memory_space<vmem>> -> memref<80x128xf32, #tpu.memory_space<vmem>>
      %dma_start3A_23 = arith.constant 0 : i32
      %dma_start3A_24 = tpu.memref_slice %arg8[%dma_start3A_23] : memref<20000xi32, #tpu.memory_space<vmem>> -> memref<80xi32, #tpu.memory_space<vmem>>
      %dma_start3A_25 = arith.constant 0 : i32
      %dma_start3A_26 = arith.constant 0 : i32
      %dma_start3A_27 = tpu.memref_slice %arg10[%dma_start3A_25, %dma_start3A_26] : memref<10000x128xf32, #tpu.memory_space<vmem_shared>> -> memref<10000x128xf32, #tpu.memory_space<vmem_shared>>
      tpu.enqueue_indirect_dma source(%dma_start3A_27 : memref<10000x128xf32, #tpu.memory_space<vmem_shared>>) target(%dma_start3A_22 : memref<80x128xf32, #tpu.memory_space<vmem>>) offsets(%dma_start3A_24 : memref<80xi32, #tpu.memory_space<vmem>>) semaphore(%arg11 : memref<!tpu.dma_semaphore, #tpu.memory_space<semaphore_mem>>)
      %rem3A_28 = arith.constant 1 : i32
      %rem3A_29 = arith.constant 3 : i32
      %rem3A_30 = arith.remsi %rem3A_28, %rem3A_29 : i32
      %dma_start3A_31 = arith.constant 0 : i32
      %dma_start3A_32 = arith.constant 0 : i32
      %dma_start3A_33 = tpu.memref_slice %arg9[%rem3A_30, %dma_start3A_31, %dma_start3A_32] : memref<3x80x128xf32, #tpu.memory_space<vmem>> -> memref<1x80x128xf32, #tpu.memory_space<vmem>>
      %dma_start3A_34 = tpu.memref_squeeze %dma_start3A_33 : memref<1x80x128xf32, #tpu.memory_space<vmem>> -> memref<80x128xf32, #tpu.memory_space<vmem>>
      %dma_start3A_35 = arith.constant 80 : i32
      %dma_start3A_36 = tpu.memref_slice %arg8[%dma_start3A_35] : memref<20000xi32, #tpu.memory_space<vmem>> -> memref<80xi32, #tpu.memory_space<vmem>>
      %dma_start3A_37 = arith.constant 0 : i32
      %dma_start3A_38 = arith.constant 0 : i32
      %dma_start3A_39 = tpu.memref_slice %arg10[%dma_start3A_37, %dma_start3A_38] : memref<10000x128xf32, #tpu.memory_space<vmem_shared>> -> memref<10000x128xf32, #tpu.memory_space<vmem_shared>>
      tpu.enqueue_indirect_dma source(%dma_start3A_39 : memref<10000x128xf32, #tpu.memory_space<vmem_shared>>) target(%dma_start3A_34 : memref<80x128xf32, #tpu.memory_space<vmem>>) offsets(%dma_start3A_36 : memref<80xi32, #tpu.memory_space<vmem>>) semaphore(%arg11 : memref<!tpu.dma_semaphore, #tpu.memory_space<semaphore_mem>>)
      %scan3A = arith.constant 0 : i32
      %scan3A_40 = arith.constant 0 : i32
      %scan3A_41 = arith.constant 250 : i32
      %scan3A_42 = arith.addi %scan3A_40, %scan3A_41 : i32
      %scan3A_43 = arith.constant 1 : i32
      scf.for %scan3A_58 = %scan3A_40 to %scan3A_42 step %scan3A_43  : i32 {
        %rem3A_59 = arith.constant 3 : i32
        %rem3A_60 = arith.remsi %scan3A_58, %rem3A_59 : i32
        %dma_wait3A_61 = arith.constant 0 : i32
        %dma_wait3A_62 = arith.constant 0 : i32
        %dma_wait3A_63 = tpu.memref_slice %arg9[%rem3A_60, %dma_wait3A_61, %dma_wait3A_62] : memref<3x80x128xf32, #tpu.memory_space<vmem>> -> memref<1x80x128xf32, #tpu.memory_space<vmem>>
        %dma_wait3A_64 = tpu.memref_squeeze %dma_wait3A_63 : memref<1x80x128xf32, #tpu.memory_space<vmem>> -> memref<80x128xf32, #tpu.memory_space<vmem>>
        %dma_wait3A_65 = arith.constant 0 : i32
        %dma_wait3A_66 = tpu.memref_slice %arg8[%dma_wait3A_65] : memref<20000xi32, #tpu.memory_space<vmem>> -> memref<80xi32, #tpu.memory_space<vmem>>
        %dma_wait3A_67 = arith.constant 0 : i32
        %dma_wait3A_68 = arith.constant 0 : i32
        %dma_wait3A_69 = tpu.memref_slice %arg10[%dma_wait3A_67, %dma_wait3A_68] : memref<10000x128xf32, #tpu.memory_space<vmem_shared>> -> memref<10000x128xf32, #tpu.memory_space<vmem_shared>>
        tpu.wait_indirect_dma semaphore(%arg11 : memref<!tpu.dma_semaphore, #tpu.memory_space<semaphore_mem>>) src(%dma_wait3A_69 : memref<10000x128xf32, #tpu.memory_space<vmem_shared>>) dst(%dma_wait3A_64 : memref<80x128xf32, #tpu.memory_space<vmem>>)
        %mul3A_70 = arith.constant 80 : i32
        %mul3A_71 = arith.muli %scan3A_58, %mul3A_70 : i32
        %add3A_72 = arith.addi %mul3A_0, %mul3A_71 : i32
        %dma_start3A_73 = arith.constant 0 : i32
        %dma_start3A_74 = arith.constant 0 : i32
        %dma_start3A_75 = tpu.memref_slice %arg9[%rem3A_60, %dma_start3A_73, %dma_start3A_74] : memref<3x80x128xf32, #tpu.memory_space<vmem>> -> memref<1x80x128xf32, #tpu.memory_space<vmem>>
        %dma_start3A_76 = tpu.memref_squeeze %dma_start3A_75 : memref<1x80x128xf32, #tpu.memory_space<vmem>> -> memref<80x128xf32, #tpu.memory_space<vmem>>
        %dma_start3A_77 = arith.constant 0 : i32
        %dma_start3A_78 = tpu.memref_slice %arg6[%add3A_72, %dma_start3A_77] : memref<320000x128xf32, #tpu.memory_space<hbm>> -> memref<80x128xf32, #tpu.memory_space<hbm>>
        %dma_start3A_79 = arith.constant 0 : i32
        %dma_start3A_80 = tpu.memref_slice %arg6[%add3A_72, %dma_start3A_79] : memref<320000x128xf32, #tpu.memory_space<hbm>> -> memref<80x128xf32, #tpu.memory_space<hbm>>
        %dma_start3A_81 = arith.constant 0 : i32
        %dma_start3A_82 = arith.constant 0 : i32
        %dma_start3A_83 = tpu.memref_slice %arg9[%rem3A_60, %dma_start3A_81, %dma_start3A_82] : memref<3x80x128xf32, #tpu.memory_space<vmem>> -> memref<1x80x128xf32, #tpu.memory_space<vmem>>
        %dma_start3A_84 = tpu.memref_squeeze %dma_start3A_83 : memref<1x80x128xf32, #tpu.memory_space<vmem>> -> memref<80x128xf32, #tpu.memory_space<vmem>>
        tpu.enqueue_dma source(%dma_start3A_84 : memref<80x128xf32, #tpu.memory_space<vmem>>) target(%dma_start3A_80 : memref<80x128xf32, #tpu.memory_space<hbm>>) target_semaphore(%arg12 : memref<!tpu.dma_semaphore, #tpu.memory_space<semaphore_mem>>)
        %add3A_85 = arith.constant 2 : i32
        %add3A_86 = arith.addi %scan3A_58, %add3A_85 : i32
        %ge3A = arith.constant 3 : i32
        %ge3A_87 = arith.cmpi sge, %add3A_86, %ge3A : i32
        %convert_element_type3A_88 = arith.extui %ge3A_87 : i1 to i32
        %cond3A_89 = arith.constant 0 : i32
        %cond3A_90 = arith.cmpi ne, %convert_element_type3A_88, %cond3A_89 : i32
        scf.if %cond3A_90 {
          %add3A_97 = arith.constant 2 : i32
          %add3A_98 = arith.addi %scan3A_58, %add3A_97 : i32
          %sub3A = arith.constant 3 : i32
          %sub3A_99 = arith.subi %add3A_98, %sub3A : i32
          %mul3A_100 = arith.constant 80 : i32
          %mul3A_101 = arith.muli %sub3A_99, %mul3A_100 : i32
          %add3A_102 = arith.addi %mul3A_0, %mul3A_101 : i32
          %add3A_103 = arith.constant 2 : i32
          %add3A_104 = arith.addi %scan3A_58, %add3A_103 : i32
          %rem3A_105 = arith.constant 3 : i32
          %rem3A_106 = arith.remsi %add3A_104, %rem3A_105 : i32
          %dma_wait3A_107 = arith.constant 0 : i32
          %dma_wait3A_108 = arith.constant 0 : i32
          %dma_wait3A_109 = tpu.memref_slice %arg9[%rem3A_106, %dma_wait3A_107, %dma_wait3A_108] : memref<3x80x128xf32, #tpu.memory_space<vmem>> -> memref<1x80x128xf32, #tpu.memory_space<vmem>>
          %dma_wait3A_110 = tpu.memref_squeeze %dma_wait3A_109 : memref<1x80x128xf32, #tpu.memory_space<vmem>> -> memref<80x128xf32, #tpu.memory_space<vmem>>
          %dma_wait3A_111 = arith.constant 0 : i32
          %dma_wait3A_112 = tpu.memref_slice %arg6[%add3A_102, %dma_wait3A_111] : memref<320000x128xf32, #tpu.memory_space<hbm>> -> memref<80x128xf32, #tpu.memory_space<hbm>>
          %dma_wait3A_113 = arith.constant 0 : i32
          %dma_wait3A_114 = tpu.memref_slice %arg6[%add3A_102, %dma_wait3A_113] : memref<320000x128xf32, #tpu.memory_space<hbm>> -> memref<80x128xf32, #tpu.memory_space<hbm>>
          %dma_wait3A_115 = arith.constant 0 : i32
          %dma_wait3A_116 = arith.constant 0 : i32
          %dma_wait3A_117 = tpu.memref_slice %arg9[%rem3A_106, %dma_wait3A_115, %dma_wait3A_116] : memref<3x80x128xf32, #tpu.memory_space<vmem>> -> memref<1x80x128xf32, #tpu.memory_space<vmem>>
          %dma_wait3A_118 = tpu.memref_squeeze %dma_wait3A_117 : memref<1x80x128xf32, #tpu.memory_space<vmem>> -> memref<80x128xf32, #tpu.memory_space<vmem>>
          tpu.wait_dma2 semaphore(%arg12 : memref<!tpu.dma_semaphore, #tpu.memory_space<semaphore_mem>>) src(%dma_wait3A_118 : memref<80x128xf32, #tpu.memory_space<vmem>>) dst(%dma_wait3A_114 : memref<80x128xf32, #tpu.memory_space<hbm>>)
        } else {
        }
        %add3A_91 = arith.constant 2 : i32
        %add3A_92 = arith.addi %scan3A_58, %add3A_91 : i32
        %lt3A = arith.constant 250 : i32
        %lt3A_93 = arith.cmpi slt, %add3A_92, %lt3A : i32
        %convert_element_type3A_94 = arith.extui %lt3A_93 : i1 to i32
        %cond3A_95 = arith.constant 0 : i32
        %cond3A_96 = arith.cmpi ne, %convert_element_type3A_94, %cond3A_95 : i32
        scf.if %cond3A_96 {
          %add3A_97 = arith.constant 2 : i32
          %add3A_98 = arith.addi %scan3A_58, %add3A_97 : i32
          %rem3A_99 = arith.constant 3 : i32
          %rem3A_100 = arith.remsi %add3A_98, %rem3A_99 : i32
          %mul3A_101 = arith.constant 80 : i32
          %mul3A_102 = arith.muli %add3A_98, %mul3A_101 : i32
          %dma_start3A_103 = arith.constant 0 : i32
          %dma_start3A_104 = arith.constant 0 : i32
          %dma_start3A_105 = tpu.memref_slice %arg9[%rem3A_100, %dma_start3A_103, %dma_start3A_104] : memref<3x80x128xf32, #tpu.memory_space<vmem>> -> memref<1x80x128xf32, #tpu.memory_space<vmem>>
          %dma_start3A_106 = tpu.memref_squeeze %dma_start3A_105 : memref<1x80x128xf32, #tpu.memory_space<vmem>> -> memref<80x128xf32, #tpu.memory_space<vmem>>
          %dma_start3A_107 = tpu.memref_slice %arg8[%mul3A_102] : memref<20000xi32, #tpu.memory_space<vmem>> -> memref<80xi32, #tpu.memory_space<vmem>>
          %dma_start3A_108 = arith.constant 0 : i32
          %dma_start3A_109 = arith.constant 0 : i32
          %dma_start3A_110 = tpu.memref_slice %arg10[%dma_start3A_108, %dma_start3A_109] : memref<10000x128xf32, #tpu.memory_space<vmem_shared>> -> memref<10000x128xf32, #tpu.memory_space<vmem_shared>>
          tpu.enqueue_indirect_dma source(%dma_start3A_110 : memref<10000x128xf32, #tpu.memory_space<vmem_shared>>) target(%dma_start3A_106 : memref<80x128xf32, #tpu.memory_space<vmem>>) offsets(%dma_start3A_107 : memref<80xi32, #tpu.memory_space<vmem>>) semaphore(%arg11 : memref<!tpu.dma_semaphore, #tpu.memory_space<semaphore_mem>>)
        } else {
        }
      }
      %scan3A_44 = arith.constant 250 : i32
      %add3A = arith.constant 19920 : i32
      %add3A_45 = arith.addi %mul3A_0, %add3A : i32
      %dma_wait3A = arith.constant 0 : i32
      %dma_wait3A_46 = arith.constant 0 : i32
      %dma_wait3A_47 = arith.constant 0 : i32
      %dma_wait3A_48 = tpu.memref_slice %arg9[%dma_wait3A, %dma_wait3A_46, %dma_wait3A_47] : memref<3x80x128xf32, #tpu.memory_space<vmem>> -> memref<1x80x128xf32, #tpu.memory_space<vmem>>
      %dma_wait3A_49 = tpu.memref_squeeze %dma_wait3A_48 : memref<1x80x128xf32, #tpu.memory_space<vmem>> -> memref<80x128xf32, #tpu.memory_space<vmem>>
      %dma_wait3A_50 = arith.constant 0 : i32
      %dma_wait3A_51 = tpu.memref_slice %arg6[%add3A_45, %dma_wait3A_50] : memref<320000x128xf32, #tpu.memory_space<hbm>> -> memref<80x128xf32, #tpu.memory_space<hbm>>
      %dma_wait3A_52 = arith.constant 0 : i32
      %dma_wait3A_53 = tpu.memref_slice %arg6[%add3A_45, %dma_wait3A_52] : memref<320000x128xf32, #tpu.memory_space<hbm>> -> memref<80x128xf32, #tpu.memory_space<hbm>>
      %dma_wait3A_54 = arith.constant 0 : i32
      %dma_wait3A_55 = arith.constant 0 : i32
      %dma_wait3A_56 = tpu.memref_slice %arg9[%dma_wait3A, %dma_wait3A_54, %dma_wait3A_55] : memref<3x80x128xf32, #tpu.memory_space<vmem>> -> memref<1x80x128xf32, #tpu.memory_space<vmem>>
      %dma_wait3A_57 = tpu.memref_squeeze %dma_wait3A_56 : memref<1x80x128xf32, #tpu.memory_space<vmem>> -> memref<80x128xf32, #tpu.memory_space<vmem>>
      tpu.wait_dma2 semaphore(%arg12 : memref<!tpu.dma_semaphore, #tpu.memory_space<semaphore_mem>>) src(%dma_wait3A_57 : memref<80x128xf32, #tpu.memory_space<vmem>>) dst(%dma_wait3A_53 : memref<80x128xf32, #tpu.memory_space<hbm>>)
    } else {
    }
    %eq3A_13 = arith.constant 1 : i32
    %eq3A_14 = arith.cmpi eq, %arg0, %eq3A_13 : i32
    %convert_element_type3A_15 = arith.extui %eq3A_14 : i1 to i32
    %cond3A_16 = arith.constant 0 : i32
    %cond3A_17 = arith.cmpi ne, %convert_element_type3A_15, %cond3A_16 : i32
    scf.if %cond3A_17 {
      %rem3A = arith.constant 0 : i32
      %rem3A_18 = arith.constant 3 : i32
      %rem3A_19 = arith.remsi %rem3A, %rem3A_18 : i32
      %dma_start3A = arith.constant 0 : i32
      %dma_start3A_20 = arith.constant 0 : i32
      %dma_start3A_21 = tpu.memref_slice %arg9[%rem3A_19, %dma_start3A, %dma_start3A_20] : memref<3x80x128xf32, #tpu.memory_space<vmem>> -> memref<1x80x128xf32, #tpu.memory_space<vmem>>
      %dma_start3A_22 = tpu.memref_squeeze %dma_start3A_21 : memref<1x80x128xf32, #tpu.memory_space<vmem>> -> memref<80x128xf32, #tpu.memory_space<vmem>>
      %dma_start3A_23 = arith.constant 0 : i32
      %dma_start3A_24 = tpu.memref_slice %arg8[%dma_start3A_23] : memref<20000xi32, #tpu.memory_space<vmem>> -> memref<80xi32, #tpu.memory_space<vmem>>
      %dma_start3A_25 = arith.constant 0 : i32
      %dma_start3A_26 = arith.constant 0 : i32
      %dma_start3A_27 = tpu.memref_slice %arg10[%dma_start3A_25, %dma_start3A_26] : memref<10000x128xf32, #tpu.memory_space<vmem_shared>> -> memref<10000x128xf32, #tpu.memory_space<vmem_shared>>
      tpu.enqueue_indirect_dma source(%dma_start3A_27 : memref<10000x128xf32, #tpu.memory_space<vmem_shared>>) target(%dma_start3A_22 : memref<80x128xf32, #tpu.memory_space<vmem>>) offsets(%dma_start3A_24 : memref<80xi32, #tpu.memory_space<vmem>>) semaphore(%arg11 : memref<!tpu.dma_semaphore, #tpu.memory_space<semaphore_mem>>)
      %rem3A_28 = arith.constant 1 : i32
      %rem3A_29 = arith.constant 3 : i32
      %rem3A_30 = arith.remsi %rem3A_28, %rem3A_29 : i32
      %dma_start3A_31 = arith.constant 0 : i32
      %dma_start3A_32 = arith.constant 0 : i32
      %dma_start3A_33 = tpu.memref_slice %arg9[%rem3A_30, %dma_start3A_31, %dma_start3A_32] : memref<3x80x128xf32, #tpu.memory_space<vmem>> -> memref<1x80x128xf32, #tpu.memory_space<vmem>>
      %dma_start3A_34 = tpu.memref_squeeze %dma_start3A_33 : memref<1x80x128xf32, #tpu.memory_space<vmem>> -> memref<80x128xf32, #tpu.memory_space<vmem>>
      %dma_start3A_35 = arith.constant 80 : i32
      %dma_start3A_36 = tpu.memref_slice %arg8[%dma_start3A_35] : memref<20000xi32, #tpu.memory_space<vmem>> -> memref<80xi32, #tpu.memory_space<vmem>>
      %dma_start3A_37 = arith.constant 0 : i32
      %dma_start3A_38 = arith.constant 0 : i32
      %dma_start3A_39 = tpu.memref_slice %arg10[%dma_start3A_37, %dma_start3A_38] : memref<10000x128xf32, #tpu.memory_space<vmem_shared>> -> memref<10000x128xf32, #tpu.memory_space<vmem_shared>>
      tpu.enqueue_indirect_dma source(%dma_start3A_39 : memref<10000x128xf32, #tpu.memory_space<vmem_shared>>) target(%dma_start3A_34 : memref<80x128xf32, #tpu.memory_space<vmem>>) offsets(%dma_start3A_36 : memref<80xi32, #tpu.memory_space<vmem>>) semaphore(%arg11 : memref<!tpu.dma_semaphore, #tpu.memory_space<semaphore_mem>>)
      %scan3A = arith.constant 0 : i32
      %scan3A_40 = arith.constant 0 : i32
      %scan3A_41 = arith.constant 250 : i32
      %scan3A_42 = arith.addi %scan3A_40, %scan3A_41 : i32
      %scan3A_43 = arith.constant 1 : i32
      scf.for %scan3A_58 = %scan3A_40 to %scan3A_42 step %scan3A_43  : i32 {
        %rem3A_59 = arith.constant 3 : i32
        %rem3A_60 = arith.remsi %scan3A_58, %rem3A_59 : i32
        %dma_wait3A_61 = arith.constant 0 : i32
        %dma_wait3A_62 = arith.constant 0 : i32
        %dma_wait3A_63 = tpu.memref_slice %arg9[%rem3A_60, %dma_wait3A_61, %dma_wait3A_62] : memref<3x80x128xf32, #tpu.memory_space<vmem>> -> memref<1x80x128xf32, #tpu.memory_space<vmem>>
        %dma_wait3A_64 = tpu.memref_squeeze %dma_wait3A_63 : memref<1x80x128xf32, #tpu.memory_space<vmem>> -> memref<80x128xf32, #tpu.memory_space<vmem>>
        %dma_wait3A_65 = arith.constant 0 : i32
        %dma_wait3A_66 = tpu.memref_slice %arg8[%dma_wait3A_65] : memref<20000xi32, #tpu.memory_space<vmem>> -> memref<80xi32, #tpu.memory_space<vmem>>
        %dma_wait3A_67 = arith.constant 0 : i32
        %dma_wait3A_68 = arith.constant 0 : i32
        %dma_wait3A_69 = tpu.memref_slice %arg10[%dma_wait3A_67, %dma_wait3A_68] : memref<10000x128xf32, #tpu.memory_space<vmem_shared>> -> memref<10000x128xf32, #tpu.memory_space<vmem_shared>>
        tpu.wait_indirect_dma semaphore(%arg11 : memref<!tpu.dma_semaphore, #tpu.memory_space<semaphore_mem>>) src(%dma_wait3A_69 : memref<10000x128xf32, #tpu.memory_space<vmem_shared>>) dst(%dma_wait3A_64 : memref<80x128xf32, #tpu.memory_space<vmem>>)
        %mul3A_70 = arith.constant 80 : i32
        %mul3A_71 = arith.muli %scan3A_58, %mul3A_70 : i32
        %add3A_72 = arith.addi %mul3A_0, %mul3A_71 : i32
        %dma_start3A_73 = arith.constant 0 : i32
        %dma_start3A_74 = arith.constant 0 : i32
        %dma_start3A_75 = tpu.memref_slice %arg9[%rem3A_60, %dma_start3A_73, %dma_start3A_74] : memref<3x80x128xf32, #tpu.memory_space<vmem>> -> memref<1x80x128xf32, #tpu.memory_space<vmem>>
        %dma_start3A_76 = tpu.memref_squeeze %dma_start3A_75 : memref<1x80x128xf32, #tpu.memory_space<vmem>> -> memref<80x128xf32, #tpu.memory_space<vmem>>
        %dma_start3A_77 = arith.constant 0 : i32
        %dma_start3A_78 = tpu.memref_slice %arg7[%add3A_72, %dma_start3A_77] : memref<320000x128xf32, #tpu.memory_space<hbm>> -> memref<80x128xf32, #tpu.memory_space<hbm>>
        %dma_start3A_79 = arith.constant 0 : i32
        %dma_start3A_80 = tpu.memref_slice %arg7[%add3A_72, %dma_start3A_79] : memref<320000x128xf32, #tpu.memory_space<hbm>> -> memref<80x128xf32, #tpu.memory_space<hbm>>
        %dma_start3A_81 = arith.constant 0 : i32
        %dma_start3A_82 = arith.constant 0 : i32
        %dma_start3A_83 = tpu.memref_slice %arg9[%rem3A_60, %dma_start3A_81, %dma_start3A_82] : memref<3x80x128xf32, #tpu.memory_space<vmem>> -> memref<1x80x128xf32, #tpu.memory_space<vmem>>
        %dma_start3A_84 = tpu.memref_squeeze %dma_start3A_83 : memref<1x80x128xf32, #tpu.memory_space<vmem>> -> memref<80x128xf32, #tpu.memory_space<vmem>>
        tpu.enqueue_dma source(%dma_start3A_84 : memref<80x128xf32, #tpu.memory_space<vmem>>) target(%dma_start3A_80 : memref<80x128xf32, #tpu.memory_space<hbm>>) target_semaphore(%arg12 : memref<!tpu.dma_semaphore, #tpu.memory_space<semaphore_mem>>)
        %add3A_85 = arith.constant 2 : i32
        %add3A_86 = arith.addi %scan3A_58, %add3A_85 : i32
        %ge3A = arith.constant 3 : i32
        %ge3A_87 = arith.cmpi sge, %add3A_86, %ge3A : i32
        %convert_element_type3A_88 = arith.extui %ge3A_87 : i1 to i32
        %cond3A_89 = arith.constant 0 : i32
        %cond3A_90 = arith.cmpi ne, %convert_element_type3A_88, %cond3A_89 : i32
        scf.if %cond3A_90 {
          %add3A_97 = arith.constant 2 : i32
          %add3A_98 = arith.addi %scan3A_58, %add3A_97 : i32
          %sub3A = arith.constant 3 : i32
          %sub3A_99 = arith.subi %add3A_98, %sub3A : i32
          %mul3A_100 = arith.constant 80 : i32
          %mul3A_101 = arith.muli %sub3A_99, %mul3A_100 : i32
          %add3A_102 = arith.addi %mul3A_0, %mul3A_101 : i32
          %add3A_103 = arith.constant 2 : i32
          %add3A_104 = arith.addi %scan3A_58, %add3A_103 : i32
          %rem3A_105 = arith.constant 3 : i32
          %rem3A_106 = arith.remsi %add3A_104, %rem3A_105 : i32
          %dma_wait3A_107 = arith.constant 0 : i32
          %dma_wait3A_108 = arith.constant 0 : i32
          %dma_wait3A_109 = tpu.memref_slice %arg9[%rem3A_106, %dma_wait3A_107, %dma_wait3A_108] : memref<3x80x128xf32, #tpu.memory_space<vmem>> -> memref<1x80x128xf32, #tpu.memory_space<vmem>>
          %dma_wait3A_110 = tpu.memref_squeeze %dma_wait3A_109 : memref<1x80x128xf32, #tpu.memory_space<vmem>> -> memref<80x128xf32, #tpu.memory_space<vmem>>
          %dma_wait3A_111 = arith.constant 0 : i32
          %dma_wait3A_112 = tpu.memref_slice %arg7[%add3A_102, %dma_wait3A_111] : memref<320000x128xf32, #tpu.memory_space<hbm>> -> memref<80x128xf32, #tpu.memory_space<hbm>>
          %dma_wait3A_113 = arith.constant 0 : i32
          %dma_wait3A_114 = tpu.memref_slice %arg7[%add3A_102, %dma_wait3A_113] : memref<320000x128xf32, #tpu.memory_space<hbm>> -> memref<80x128xf32, #tpu.memory_space<hbm>>
          %dma_wait3A_115 = arith.constant 0 : i32
          %dma_wait3A_116 = arith.constant 0 : i32
          %dma_wait3A_117 = tpu.memref_slice %arg9[%rem3A_106, %dma_wait3A_115, %dma_wait3A_116] : memref<3x80x128xf32, #tpu.memory_space<vmem>> -> memref<1x80x128xf32, #tpu.memory_space<vmem>>
          %dma_wait3A_118 = tpu.memref_squeeze %dma_wait3A_117 : memref<1x80x128xf32, #tpu.memory_space<vmem>> -> memref<80x128xf32, #tpu.memory_space<vmem>>
          tpu.wait_dma2 semaphore(%arg12 : memref<!tpu.dma_semaphore, #tpu.memory_space<semaphore_mem>>) src(%dma_wait3A_118 : memref<80x128xf32, #tpu.memory_space<vmem>>) dst(%dma_wait3A_114 : memref<80x128xf32, #tpu.memory_space<hbm>>)
        } else {
        }
        %add3A_91 = arith.constant 2 : i32
        %add3A_92 = arith.addi %scan3A_58, %add3A_91 : i32
        %lt3A = arith.constant 250 : i32
        %lt3A_93 = arith.cmpi slt, %add3A_92, %lt3A : i32
        %convert_element_type3A_94 = arith.extui %lt3A_93 : i1 to i32
        %cond3A_95 = arith.constant 0 : i32
        %cond3A_96 = arith.cmpi ne, %convert_element_type3A_94, %cond3A_95 : i32
        scf.if %cond3A_96 {
          %add3A_97 = arith.constant 2 : i32
          %add3A_98 = arith.addi %scan3A_58, %add3A_97 : i32
          %rem3A_99 = arith.constant 3 : i32
          %rem3A_100 = arith.remsi %add3A_98, %rem3A_99 : i32
          %mul3A_101 = arith.constant 80 : i32
          %mul3A_102 = arith.muli %add3A_98, %mul3A_101 : i32
          %dma_start3A_103 = arith.constant 0 : i32
          %dma_start3A_104 = arith.constant 0 : i32
          %dma_start3A_105 = tpu.memref_slice %arg9[%rem3A_100, %dma_start3A_103, %dma_start3A_104] : memref<3x80x128xf32, #tpu.memory_space<vmem>> -> memref<1x80x128xf32, #tpu.memory_space<vmem>>
          %dma_start3A_106 = tpu.memref_squeeze %dma_start3A_105 : memref<1x80x128xf32, #tpu.memory_space<vmem>> -> memref<80x128xf32, #tpu.memory_space<vmem>>
          %dma_start3A_107 = tpu.memref_slice %arg8[%mul3A_102] : memref<20000xi32, #tpu.memory_space<vmem>> -> memref<80xi32, #tpu.memory_space<vmem>>
          %dma_start3A_108 = arith.constant 0 : i32
          %dma_start3A_109 = arith.constant 0 : i32
          %dma_start3A_110 = tpu.memref_slice %arg10[%dma_start3A_108, %dma_start3A_109] : memref<10000x128xf32, #tpu.memory_space<vmem_shared>> -> memref<10000x128xf32, #tpu.memory_space<vmem_shared>>
          tpu.enqueue_indirect_dma source(%dma_start3A_110 : memref<10000x128xf32, #tpu.memory_space<vmem_shared>>) target(%dma_start3A_106 : memref<80x128xf32, #tpu.memory_space<vmem>>) offsets(%dma_start3A_107 : memref<80xi32, #tpu.memory_space<vmem>>) semaphore(%arg11 : memref<!tpu.dma_semaphore, #tpu.memory_space<semaphore_mem>>)
        } else {
        }
      }
      %scan3A_44 = arith.constant 250 : i32
      %add3A = arith.constant 19920 : i32
      %add3A_45 = arith.addi %mul3A_0, %add3A : i32
      %dma_wait3A = arith.constant 0 : i32
      %dma_wait3A_46 = arith.constant 0 : i32
      %dma_wait3A_47 = arith.constant 0 : i32
      %dma_wait3A_48 = tpu.memref_slice %arg9[%dma_wait3A, %dma_wait3A_46, %dma_wait3A_47] : memref<3x80x128xf32, #tpu.memory_space<vmem>> -> memref<1x80x128xf32, #tpu.memory_space<vmem>>
      %dma_wait3A_49 = tpu.memref_squeeze %dma_wait3A_48 : memref<1x80x128xf32, #tpu.memory_space<vmem>> -> memref<80x128xf32, #tpu.memory_space<vmem>>
      %dma_wait3A_50 = arith.constant 0 : i32
      %dma_wait3A_51 = tpu.memref_slice %arg7[%add3A_45, %dma_wait3A_50] : memref<320000x128xf32, #tpu.memory_space<hbm>> -> memref<80x128xf32, #tpu.memory_space<hbm>>
      %dma_wait3A_52 = arith.constant 0 : i32
      %dma_wait3A_53 = tpu.memref_slice %arg7[%add3A_45, %dma_wait3A_52] : memref<320000x128xf32, #tpu.memory_space<hbm>> -> memref<80x128xf32, #tpu.memory_space<hbm>>
      %dma_wait3A_54 = arith.constant 0 : i32
      %dma_wait3A_55 = arith.constant 0 : i32
      %dma_wait3A_56 = tpu.memref_slice %arg9[%dma_wait3A, %dma_wait3A_54, %dma_wait3A_55] : memref<3x80x128xf32, #tpu.memory_space<vmem>> -> memref<1x80x128xf32, #tpu.memory_space<vmem>>
      %dma_wait3A_57 = tpu.memref_squeeze %dma_wait3A_56 : memref<1x80x128xf32, #tpu.memory_space<vmem>> -> memref<80x128xf32, #tpu.memory_space<vmem>>
      tpu.wait_dma2 semaphore(%arg12 : memref<!tpu.dma_semaphore, #tpu.memory_space<semaphore_mem>>) src(%dma_wait3A_57 : memref<80x128xf32, #tpu.memory_space<vmem>>) dst(%dma_wait3A_53 : memref<80x128xf32, #tpu.memory_space<hbm>>)
    } else {
    }
    return
  }
}

module attributes {stable_mosaic.version = 14 : i64} {
  func.func @_prep_body(%arg0: memref<10000x128xf32, #tpu.memory_space<vmem>>, %arg1: memref<128x128xf32, #tpu.memory_space<vmem>>, %arg2: memref<128x128xf32, #tpu.memory_space<vmem>>, %arg3: memref<10000x128xf32, #tpu.memory_space<vmem>>, %arg4: memref<10000x128xf32, #tpu.memory_space<vmem>>) attributes {dimension_semantics = [], scalar_prefetch = 0 : i64, scratch_operands = 0 : i64, tpu.core_type = #tpu.core_type<tc>} {
    %get3A = arith.constant 0 : index
    %get3A_0 = arith.constant 0 : index
    %get3A_1 = vector.load %arg0[%get3A, %get3A_0] : memref<10000x128xf32, #tpu.memory_space<vmem>>, vector<10000x128xf32>
    %get3A_2 = arith.constant 0 : index
    %get3A_3 = arith.constant 0 : index
    %get3A_4 = vector.load %arg1[%get3A_2, %get3A_3] : memref<128x128xf32, #tpu.memory_space<vmem>>, vector<128x128xf32>
    %dot_general3A = arith.constant dense<0.000000e+00> : vector<10000x128xf32>
    %dot_general3A_5 = tpu.matmul %get3A_1, %get3A_4, %dot_general3A {dimension_numbers = #tpu.dot_dimension_numbers<[1], [0], [0], [1], [0, 0, 1, 1], [], []>, transpose_lhs_hint = false} : vector<10000x128xf32>, vector<128x128xf32>, vector<10000x128xf32> -> vector<10000x128xf32>
    %swap3A = arith.constant 0 : index
    %swap3A_6 = arith.constant 0 : index
    %swap3A_7 = vector.load %arg3[%swap3A, %swap3A_6] : memref<10000x128xf32, #tpu.memory_space<vmem>>, vector<10000x128xf32>
    tpu.vector_store %arg3[%swap3A, %swap3A_6], %dot_general3A_5 {strides = array<i32>} : memref<10000x128xf32, #tpu.memory_space<vmem>>, vector<10000x128xf32>,
    %get3A_8 = arith.constant 0 : index
    %get3A_9 = arith.constant 0 : index
    %get3A_10 = vector.load %arg2[%get3A_8, %get3A_9] : memref<128x128xf32, #tpu.memory_space<vmem>>, vector<128x128xf32>
    %dot_general3A_11 = arith.constant dense<0.000000e+00> : vector<10000x128xf32>
    %dot_general3A_12 = tpu.matmul %get3A_1, %get3A_10, %dot_general3A_11 {dimension_numbers = #tpu.dot_dimension_numbers<[1], [0], [0], [1], [0, 0, 1, 1], [], []>, transpose_lhs_hint = false} : vector<10000x128xf32>, vector<128x128xf32>, vector<10000x128xf32> -> vector<10000x128xf32>
    %swap3A_13 = arith.constant 0 : index
    %swap3A_14 = arith.constant 0 : index
    %swap3A_15 = vector.load %arg4[%swap3A_13, %swap3A_14] : memref<10000x128xf32, #tpu.memory_space<vmem>>, vector<10000x128xf32>
    tpu.vector_store %arg4[%swap3A_13, %swap3A_14], %dot_general3A_12 {strides = array<i32>} : memref<10000x128xf32, #tpu.memory_space<vmem>>, vector<10000x128xf32>,
    return
  }
}

module attributes {stable_mosaic.version = 14 : i64} {
  func.func @_edge_body(%arg0: i32, %arg1: memref<2560x128xf32, #tpu.memory_space<vmem>>, %arg2: memref<2560x128xf32, #tpu.memory_space<vmem>>, %arg3: memref<2560x128xf32, #tpu.memory_space<vmem>>, %arg4: memref<128x128xf32, #tpu.memory_space<vmem>>, %arg5: memref<1x128xf32, #tpu.memory_space<vmem>>, %arg6: memref<128x128xf32, #tpu.memory_space<vmem>>, %arg7: memref<1x128xf32, #tpu.memory_space<vmem>>, %arg8: memref<2560x128xf32, #tpu.memory_space<vmem>>) attributes {dimension_semantics = [#tpu.dimension_semantics<arbitrary>], iteration_bounds = array<i64: 125>, scalar_prefetch = 0 : i64, scratch_operands = 0 : i64, tpu.core_type = #tpu.core_type<tc>, window_params = [{transform_indices = @transform_0, window_bounds = array<i64: 2560, 128>}, {transform_indices = @transform_1, window_bounds = array<i64: 2560, 128>}, {transform_indices = @transform_2, window_bounds = array<i64: 2560, 128>}, {pipeline_mode = #tpu.pipeline_mode<synchronous>, transform_indices = @transform_3, window_bounds = array<i64: 128, 128>}, {pipeline_mode = #tpu.pipeline_mode<synchronous>, transform_indices = @transform_4, window_bounds = array<i64: 1, 128>}, {pipeline_mode = #tpu.pipeline_mode<synchronous>, transform_indices = @transform_5, window_bounds = array<i64: 128, 128>}, {pipeline_mode = #tpu.pipeline_mode<synchronous>, transform_indices = @transform_6, window_bounds = array<i64: 1, 128>}, {transform_indices = @transform_7, window_bounds = array<i64: 2560, 128>}]} {
    %get3A = arith.constant 0 : index
    %get3A_0 = arith.constant 0 : index
    %get3A_1 = vector.load %arg1[%get3A, %get3A_0] : memref<2560x128xf32, #tpu.memory_space<vmem>>, vector<2560x128xf32>
    %get3A_2 = arith.constant 0 : index
    %get3A_3 = arith.constant 0 : index
    %get3A_4 = vector.load %arg4[%get3A_2, %get3A_3] : memref<128x128xf32, #tpu.memory_space<vmem>>, vector<128x128xf32>
    %dot_general3A = arith.constant dense<0.000000e+00> : vector<2560x128xf32>
    %dot_general3A_5 = tpu.matmul %get3A_1, %get3A_4, %dot_general3A {dimension_numbers = #tpu.dot_dimension_numbers<[1], [0], [0], [1], [0, 0, 1, 1], [], []>, transpose_lhs_hint = false} : vector<2560x128xf32>, vector<128x128xf32>, vector<2560x128xf32> -> vector<2560x128xf32>
    %get3A_6 = arith.constant 0 : index
    %get3A_7 = arith.constant 0 : index
    %get3A_8 = vector.load %arg2[%get3A_6, %get3A_7] : memref<2560x128xf32, #tpu.memory_space<vmem>>, vector<2560x128xf32>
    %add3A = arith.addf %dot_general3A_5, %get3A_8 : vector<2560x128xf32>
    %get3A_9 = arith.constant 0 : index
    %get3A_10 = arith.constant 0 : index
    %get3A_11 = vector.load %arg3[%get3A_9, %get3A_10] : memref<2560x128xf32, #tpu.memory_space<vmem>>, vector<2560x128xf32>
    %add3A_12 = arith.addf %add3A, %get3A_11 : vector<2560x128xf32>
    %get3A_13 = arith.constant 0 : index
    %get3A_14 = arith.constant 0 : index
    %get3A_15 = vector.load %arg5[%get3A_13, %get3A_14] : memref<1x128xf32, #tpu.memory_space<vmem>>, vector<1x128xf32>
    %add3A_16 = vector.broadcast %get3A_15 : vector<1x128xf32> to vector<2560x128xf32>
    %add3A_17 = arith.addf %add3A_12, %add3A_16 : vector<2560x128xf32>
    %max3A = arith.constant 0.000000e+00 : f32
    %max3A_18 = vector.broadcast %max3A : f32 to vector<2560x128xf32>
    %max3A_19 = arith.maximumf %add3A_17, %max3A_18 : vector<2560x128xf32>
    %get3A_20 = arith.constant 0 : index
    %get3A_21 = arith.constant 0 : index
    %get3A_22 = vector.load %arg6[%get3A_20, %get3A_21] : memref<128x128xf32, #tpu.memory_space<vmem>>, vector<128x128xf32>
    %dot_general3A_23 = arith.constant dense<0.000000e+00> : vector<2560x128xf32>
    %dot_general3A_24 = tpu.matmul %max3A_19, %get3A_22, %dot_general3A_23 {dimension_numbers = #tpu.dot_dimension_numbers<[1], [0], [0], [1], [0, 0, 1, 1], [], []>, transpose_lhs_hint = false} : vector<2560x128xf32>, vector<128x128xf32>, vector<2560x128xf32> -> vector<2560x128xf32>
    %get3A_25 = arith.constant 0 : index
    %get3A_26 = arith.constant 0 : index
    %get3A_27 = vector.load %arg7[%get3A_25, %get3A_26] : memref<1x128xf32, #tpu.memory_space<vmem>>, vector<1x128xf32>
    %add3A_28 = vector.broadcast %get3A_27 : vector<1x128xf32> to vector<2560x128xf32>
    %add3A_29 = arith.addf %dot_general3A_24, %add3A_28 : vector<2560x128xf32>
    %swap3A = arith.constant 0 : index
    %swap3A_30 = arith.constant 0 : index
    %swap3A_31 = vector.load %arg8[%swap3A, %swap3A_30] : memref<2560x128xf32, #tpu.memory_space<vmem>>, vector<2560x128xf32>
    tpu.vector_store %arg8[%swap3A, %swap3A_30], %add3A_29 {strides = array<i32>} : memref<2560x128xf32, #tpu.memory_space<vmem>>, vector<2560x128xf32>,
    return
  }
  func.func @transform_0(%arg0: i32) -> (i32, i32) {
    %c0_i32 = arith.constant 0 : i32
    %c0_i32_0 = arith.constant 0 : i32
    return %arg0, %c0_i32 : i32, i32
  }
  func.func @transform_1(%arg0: i32) -> (i32, i32) {
    %c0_i32 = arith.constant 0 : i32
    %c0_i32_0 = arith.constant 0 : i32
    return %arg0, %c0_i32 : i32, i32
  }
  func.func @transform_2(%arg0: i32) -> (i32, i32) {
    %c0_i32 = arith.constant 0 : i32
    %c0_i32_0 = arith.constant 0 : i32
    return %arg0, %c0_i32 : i32, i32
  }
  func.func @transform_3(%arg0: i32) -> (i32, i32) {
    %c0_i32 = arith.constant 0 : i32
    %c0_i32_0 = arith.constant 0 : i32
    %c0_i32_1 = arith.constant 0 : i32
    return %c0_i32, %c0_i32_0 : i32, i32
  }
  func.func @transform_4(%arg0: i32) -> (i32, i32) {
    %c0_i32 = arith.constant 0 : i32
    %c0_i32_0 = arith.constant 0 : i32
    %c0_i32_1 = arith.constant 0 : i32
    return %c0_i32, %c0_i32_0 : i32, i32
  }
  func.func @transform_5(%arg0: i32) -> (i32, i32) {
    %c0_i32 = arith.constant 0 : i32
    %c0_i32_0 = arith.constant 0 : i32
    %c0_i32_1 = arith.constant 0 : i32
    return %c0_i32, %c0_i32_0 : i32, i32
  }
  func.func @transform_6(%arg0: i32) -> (i32, i32) {
    %c0_i32 = arith.constant 0 : i32
    %c0_i32_0 = arith.constant 0 : i32
    %c0_i32_1 = arith.constant 0 : i32
    return %c0_i32, %c0_i32_0 : i32, i32
  }
  func.func @transform_7(%arg0: i32) -> (i32, i32) {
    %c0_i32 = arith.constant 0 : i32
    %c0_i32_0 = arith.constant 0 : i32
    return %arg0, %c0_i32 : i32, i32
  }
}

module attributes {stable_mosaic.version = 14 : i64} {
  func.func @_node_body(%arg0: i32, %arg1: memref<2000x128xf32, #tpu.memory_space<vmem>>, %arg2: memref<2000x128xf32, #tpu.memory_space<vmem>>, %arg3: memref<2000x128xf32, #tpu.memory_space<vmem>>, %arg4: memref<128x128xf32, #tpu.memory_space<vmem>>, %arg5: memref<128x128xf32, #tpu.memory_space<vmem>>, %arg6: memref<1x128xf32, #tpu.memory_space<vmem>>, %arg7: memref<128x128xf32, #tpu.memory_space<vmem>>, %arg8: memref<1x128xf32, #tpu.memory_space<vmem>>, %arg9: memref<2000x128xf32, #tpu.memory_space<vmem>>) attributes {dimension_semantics = [#tpu.dimension_semantics<arbitrary>], iteration_bounds = array<i64: 5>, scalar_prefetch = 0 : i64, scratch_operands = 0 : i64, tpu.core_type = #tpu.core_type<tc>, window_params = [{transform_indices = @transform_0, window_bounds = array<i64: 2000, 128>}, {transform_indices = @transform_1, window_bounds = array<i64: 2000, 128>}, {transform_indices = @transform_2, window_bounds = array<i64: 2000, 128>}, {pipeline_mode = #tpu.pipeline_mode<synchronous>, transform_indices = @transform_3, window_bounds = array<i64: 128, 128>}, {pipeline_mode = #tpu.pipeline_mode<synchronous>, transform_indices = @transform_4, window_bounds = array<i64: 128, 128>}, {pipeline_mode = #tpu.pipeline_mode<synchronous>, transform_indices = @transform_5, window_bounds = array<i64: 1, 128>}, {pipeline_mode = #tpu.pipeline_mode<synchronous>, transform_indices = @transform_6, window_bounds = array<i64: 128, 128>}, {pipeline_mode = #tpu.pipeline_mode<synchronous>, transform_indices = @transform_7, window_bounds = array<i64: 1, 128>}, {transform_indices = @transform_8, window_bounds = array<i64: 2000, 128>}]} {
    %get3A = arith.constant 0 : index
    %get3A_0 = arith.constant 0 : index
    %get3A_1 = vector.load %arg1[%get3A, %get3A_0] : memref<2000x128xf32, #tpu.memory_space<vmem>>, vector<2000x128xf32>
    %get3A_2 = arith.constant 0 : index
    %get3A_3 = arith.constant 0 : index
    %get3A_4 = vector.load %arg2[%get3A_2, %get3A_3] : memref<2000x128xf32, #tpu.memory_space<vmem>>, vector<2000x128xf32>
    %get3A_5 = arith.constant 0 : index
    %get3A_6 = arith.constant 0 : index
    %get3A_7 = vector.load %arg3[%get3A_5, %get3A_6] : memref<2000x128xf32, #tpu.memory_space<vmem>>, vector<2000x128xf32>
    %add3A = arith.addf %get3A_4, %get3A_7 : vector<2000x128xf32>
    %get3A_8 = arith.constant 0 : index
    %get3A_9 = arith.constant 0 : index
    %get3A_10 = vector.load %arg4[%get3A_8, %get3A_9] : memref<128x128xf32, #tpu.memory_space<vmem>>, vector<128x128xf32>
    %dot_general3A = arith.constant dense<0.000000e+00> : vector<2000x128xf32>
    %dot_general3A_11 = tpu.matmul %get3A_1, %get3A_10, %dot_general3A {dimension_numbers = #tpu.dot_dimension_numbers<[1], [0], [0], [1], [0, 0, 1, 1], [], []>, transpose_lhs_hint = false} : vector<2000x128xf32>, vector<128x128xf32>, vector<2000x128xf32> -> vector<2000x128xf32>
    %get3A_12 = arith.constant 0 : index
    %get3A_13 = arith.constant 0 : index
    %get3A_14 = vector.load %arg5[%get3A_12, %get3A_13] : memref<128x128xf32, #tpu.memory_space<vmem>>, vector<128x128xf32>
    %dot_general3A_15 = arith.constant dense<0.000000e+00> : vector<2000x128xf32>
    %dot_general3A_16 = tpu.matmul %add3A, %get3A_14, %dot_general3A_15 {dimension_numbers = #tpu.dot_dimension_numbers<[1], [0], [0], [1], [0, 0, 1, 1], [], []>, transpose_lhs_hint = false} : vector<2000x128xf32>, vector<128x128xf32>, vector<2000x128xf32> -> vector<2000x128xf32>
    %add3A_17 = arith.addf %dot_general3A_11, %dot_general3A_16 : vector<2000x128xf32>
    %get3A_18 = arith.constant 0 : index
    %get3A_19 = arith.constant 0 : index
    %get3A_20 = vector.load %arg6[%get3A_18, %get3A_19] : memref<1x128xf32, #tpu.memory_space<vmem>>, vector<1x128xf32>
    %add3A_21 = vector.broadcast %get3A_20 : vector<1x128xf32> to vector<2000x128xf32>
    %add3A_22 = arith.addf %add3A_17, %add3A_21 : vector<2000x128xf32>
    %max3A = arith.constant 0.000000e+00 : f32
    %max3A_23 = vector.broadcast %max3A : f32 to vector<2000x128xf32>
    %max3A_24 = arith.maximumf %add3A_22, %max3A_23 : vector<2000x128xf32>
    %get3A_25 = arith.constant 0 : index
    %get3A_26 = arith.constant 0 : index
    %get3A_27 = vector.load %arg7[%get3A_25, %get3A_26] : memref<128x128xf32, #tpu.memory_space<vmem>>, vector<128x128xf32>
    %dot_general3A_28 = arith.constant dense<0.000000e+00> : vector<2000x128xf32>
    %dot_general3A_29 = tpu.matmul %max3A_24, %get3A_27, %dot_general3A_28 {dimension_numbers = #tpu.dot_dimension_numbers<[1], [0], [0], [1], [0, 0, 1, 1], [], []>, transpose_lhs_hint = false} : vector<2000x128xf32>, vector<128x128xf32>, vector<2000x128xf32> -> vector<2000x128xf32>
    %add3A_30 = arith.addf %get3A_1, %dot_general3A_29 : vector<2000x128xf32>
    %get3A_31 = arith.constant 0 : index
    %get3A_32 = arith.constant 0 : index
    %get3A_33 = vector.load %arg8[%get3A_31, %get3A_32] : memref<1x128xf32, #tpu.memory_space<vmem>>, vector<1x128xf32>
    %add3A_34 = vector.broadcast %get3A_33 : vector<1x128xf32> to vector<2000x128xf32>
    %add3A_35 = arith.addf %add3A_30, %add3A_34 : vector<2000x128xf32>
    %swap3A = arith.constant 0 : index
    %swap3A_36 = arith.constant 0 : index
    %swap3A_37 = vector.load %arg9[%swap3A, %swap3A_36] : memref<2000x128xf32, #tpu.memory_space<vmem>>, vector<2000x128xf32>
    tpu.vector_store %arg9[%swap3A, %swap3A_36], %add3A_35 {strides = array<i32>} : memref<2000x128xf32, #tpu.memory_space<vmem>>, vector<2000x128xf32>,
    return
  }
  func.func @transform_0(%arg0: i32) -> (i32, i32) {
    %c0_i32 = arith.constant 0 : i32
    %c0_i32_0 = arith.constant 0 : i32
    return %arg0, %c0_i32 : i32, i32
  }
  func.func @transform_1(%arg0: i32) -> (i32, i32) {
    %c0_i32 = arith.constant 0 : i32
    %c0_i32_0 = arith.constant 0 : i32
    return %arg0, %c0_i32 : i32, i32
  }
  func.func @transform_2(%arg0: i32) -> (i32, i32) {
    %c0_i32 = arith.constant 0 : i32
    %c0_i32_0 = arith.constant 0 : i32
    return %arg0, %c0_i32 : i32, i32
  }
  func.func @transform_3(%arg0: i32) -> (i32, i32) {
    %c0_i32 = arith.constant 0 : i32
    %c0_i32_0 = arith.constant 0 : i32
    %c0_i32_1 = arith.constant 0 : i32
    return %c0_i32, %c0_i32_0 : i32, i32
  }
  func.func @transform_4(%arg0: i32) -> (i32, i32) {
    %c0_i32 = arith.constant 0 : i32
    %c0_i32_0 = arith.constant 0 : i32
    %c0_i32_1 = arith.constant 0 : i32
    return %c0_i32, %c0_i32_0 : i32, i32
  }
  func.func @transform_5(%arg0: i32) -> (i32, i32) {
    %c0_i32 = arith.constant 0 : i32
    %c0_i32_0 = arith.constant 0 : i32
    %c0_i32_1 = arith.constant 0 : i32
    return %c0_i32, %c0_i32_0 : i32, i32
  }
  func.func @transform_6(%arg0: i32) -> (i32, i32) {
    %c0_i32 = arith.constant 0 : i32
    %c0_i32_0 = arith.constant 0 : i32
    %c0_i32_1 = arith.constant 0 : i32
    return %c0_i32, %c0_i32_0 : i32, i32
  }
  func.func @transform_7(%arg0: i32) -> (i32, i32) {
    %c0_i32 = arith.constant 0 : i32
    %c0_i32_0 = arith.constant 0 : i32
    %c0_i32_1 = arith.constant 0 : i32
    return %c0_i32, %c0_i32_0 : i32, i32
  }
  func.func @transform_8(%arg0: i32) -> (i32, i32) {
    %c0_i32 = arith.constant 0 : i32
    %c0_i32_0 = arith.constant 0 : i32
    return %arg0, %c0_i32 : i32, i32
  }
}

</mosaic_0001>

<sc_bundles>
// kernel: kernel.10.cloned.1.call-start
scs
__scs_entry_jumppad:
0x0: {  	(pc) =	sbr.rel $0x88, $3  }
0x1: {  	(tag) =	ssettag $0x0;
	lr =	simm.s32 $0x1  }
0x2: {  	[smem:$0x3F95] =	sst lr;
	_ =	strace $0xD0000000  }
0x3: {  	_ = 	snop  }
0x4: {  	_ = 	snop  }
0x5: {  	_ = 	snop  }
0x6: {  	_ = 	snop  }
0x7: {  	_ = 	snop  }
__scs_overlays_trampoline_lowered:
0x8: {  	[smem:$0x3FA4] =	sst s0  }
0x9: {  	[smem:$0x3FA5] =	sst s1  }
0xa: {  	[smem:$0x3FA6] =	sst s2  }
0xb: {  	[smem:$0x3FA7] =	sst s3  }
0xc: {  	[smem:$0x3FA8] =	sst s4  }
0xd: {  	[smem:$0x3FA9] =	sst s5  }
0xe: {  	[smem:$0x3FAA] =	sst s6  }
0xf: {  	[smem:$0x3FAB] =	sst s7  }
0x10: {  	[smem:$0x3FAC] =	sst s8  }
0x11: {  	[smem:$0x3FAD] =	sst s9;
	s0 =	simm.s32 @!p0 $0x0  }
0x12: {  	s1 =	sld [smem:$0x3F93];
	s0 =	simm.s32 @p0 $0x1  }
0x13: {  	[smem:$0x3FAE] =	sst s0;
	s0 =	simm.s32 @!p1 $0x0  }
0x14: {  	s2 =	sld [smem:$0x3F92];
	s0 =	simm.s32 @p1 $0x1  }
0x15: {  	[smem:$0x3FAF] =	sst s0;
	s0 =	simm.s32 @!p2 $0x0  }
0x16: {  	s3 =	sld [smem:$0x3FDB];
	s0 =	simm.s32 @p2 $0x1  }
0x17: {  	s4 =	simm.s32 $0x1BF5;
	[smem:$0x3FB1] =	sst s0  }
0x18: {  	s0 =	sld [smem:$0x3F94];
	_ =	swait.ge [sflag:s4], $0x0  }
0x19: {  	s7 =	sld [smem:$0x3F95]  }
0x1a: {  	s8 =	sadd.s32 $0xFFFFE003, lr  }
0x1b: {  	s9 =	sadd.s32 $0xFFFFFEF7, lr;
	s5 =	simm.s32 $0xFFFFFFFF;
	p2 =	slt.u32 s8, $0xFFFFF086  }
0x1c: {  	p1 =	slt.u32 s9, $0xF7A;
	s5 =	simm.s32 @!p2 $0x0  }
0x1d: {  	s5 =	simm.s32 @p1 $0x1;
	p0 =	seq.s32 s7, s2  }
0x1e: {  	s7 =	smul.u32 @!p0 $0xF7A, s2;
	p2 =	seq.s32 @!p0 s5, $0x0  }
0x1f: {  	s9 =	smul.u32 $0xF7A, s1;
	s8 =	simm.s32 @!p0 $0x1BF5;
	p2 =	por !p2, p0  }
0x20: {  	[sflag:s8] =	ssyncset.s32 @!p0 $0xFFFFF086;
	s6 =	sadd.s32 @!p0 s3, s7;
	s7 =	simm.s32 @!p0 $0x108  }
0x21: {  	s3 =	sadd.s32 s3, s9;
	s6 =	sadd.s32 @!p0 $0x88, s6;
	s7 =	simm.s32 @p2 $0x1082  }
0x22: {  	[simem:s7], [sflag:s8] =	dma.local @!p0 [hbm:s6], $0xF7A  }
0x23: {  	s9 =	sor.u32 $0xD0000000, s2;
	s6 =	simm.s32 $0x108;
	_ =	swait.ge @!p0 [sflag:s8], $0x0  }
0x24: {  	s3 =	sadd.s32 $0x88, s3;
	s6 =	simm.s32 @!p1 $0x1082;
	[sflag:s4] =	ssyncset.s32 $0xFFFFF086  }
0x25: {  	[simem:s6], [sflag:s4] =	dma.local [hbm:s3], $0xF7A  }
0x26: {  	[smem:$0x3F95] =	sst s1;
	(tag) =	ssettag s2;
	_ =	strace s9  }
0x27: {  	s1 =	sld [smem:$0x3FA5]  }
0x28: {  	s2 =	sld [smem:$0x3FA6]  }
0x29: {  	s4 =	sld [smem:$0x3FA8]  }
0x2a: {  	p0 =	seq.s32 s5, $0x0;
	s5 =	sld [smem:$0x3FA9]  }
0x2b: {  	s6 =	sld [smem:$0x3FAA]  }
0x2c: {  	s7 =	sld [smem:$0x3FAB]  }
0x2d: {  	s3 =	simm.s32 $0x108;
	s8 =	sld [smem:$0x3FAC]  }
0x2e: {  	s3 =	simm.s32 @!p0 $0x1082;
	s9 =	sld [smem:$0x3FAD]  }
0x2f: {  	lr =	sadd.s32 s0, s3;
	s0 =	sld [smem:$0x3FA4]  }
0x30: {  	s3 =	sld [smem:$0x3FA7]  }
0x31: {  	[smem:$0x3FB0] =	sst s10  }
0x32: {  	s10 =	sld [smem:$0x3FAE];
	_ =	sdelay $0x3  }
0x33: {  	p0 =	seq.s32 s10, $0x1;
	s10 =	sld [smem:$0x3FB0];
	_ =	sdelay $0x3  }
0x34: {  	[smem:$0x3FB0] =	sst s10  }
0x35: {  	s10 =	sld [smem:$0x3FAF];
	_ =	sdelay $0x3  }
0x36: {  	p1 =	seq.s32 s10, $0x1;
	s10 =	sld [smem:$0x3FB0];
	_ =	sdelay $0x3  }
0x37: {  	[smem:$0x3FB0] =	sst s10  }
0x38: {  	s10 =	sld [smem:$0x3FB1]  }
0x39: {  	_ = 	snop;
	(pc) =	sbr.ind lr, $3  }
0x3a: {  	_ = 	snop  }
0x3b: {  	_ = 	snop  }
0x3c: {  	p2 =	seq.s32 s10, $0x1;
	s10 =	sld [smem:$0x3FB0]  }
0x3d: {  	_ =	shalt  }
0x3e: {  	_ =	shalt  }
0x3f: {  	_ =	shalt  }
0x40: {  	_ =	shalt  }
0x41: {  	_ =	shalt  }
0x42: {  	_ =	shalt  }
0x43: {  	_ =	shalt  }
0x44: {  	_ =	shalt  }
0x45: {  	_ =	shalt  }
0x46: {  	_ =	shalt  }
0x47: {  	_ =	shalt  }
0x48: {  	_ =	shalt  }
0x49: {  	_ =	shalt  }
0x4a: {  	_ =	shalt  }
0x4b: {  	_ =	shalt  }
0x4c: {  	_ =	shalt  }
0x4d: {  	_ =	shalt  }
0x4e: {  	_ =	shalt  }
0x4f: {  	_ =	shalt  }
0x50: {  	_ =	shalt  }
0x51: {  	_ =	shalt  }
0x52: {  	_ =	shalt  }
0x53: {  	_ =	shalt  }
0x54: {  	_ =	shalt  }
0x55: {  	_ =	shalt  }
0x56: {  	_ =	shalt  }
0x57: {  	_ =	shalt  }
0x58: {  	_ =	shalt  }
0x59: {  	_ =	shalt  }
0x5a: {  	_ =	shalt  }
0x5b: {  	_ =	shalt  }
0x5c: {  	_ =	shalt  }
0x5d: {  	_ =	shalt  }
0x5e: {  	_ =	shalt  }
0x5f: {  	_ =	shalt  }
0x60: {  	_ =	shalt  }
0x61: {  	_ =	shalt  }
0x62: {  	_ =	shalt  }
0x63: {  	_ =	shalt  }
0x64: {  	_ =	shalt  }
0x65: {  	_ =	shalt  }
0x66: {  	_ =	shalt  }
0x67: {  	_ =	shalt  }
0x68: {  	_ =	shalt  }
0x69: {  	_ =	shalt  }
0x6a: {  	_ =	shalt  }
0x6b: {  	_ =	shalt  }
0x6c: {  	_ =	shalt  }
0x6d: {  	_ =	shalt  }
0x6e: {  	_ =	shalt  }
0x6f: {  	_ =	shalt  }
0x70: {  	_ =	shalt  }
0x71: {  	_ =	shalt  }
0x72: {  	_ =	shalt  }
0x73: {  	_ =	shalt  }
0x74: {  	_ =	shalt  }
0x75: {  	_ =	shalt  }
0x76: {  	_ =	shalt  }
0x77: {  	_ =	shalt  }
0x78: {  	_ =	shalt  }
0x79: {  	_ =	shalt  }
0x7a: {  	_ =	shalt  }
0x7b: {  	_ =	shalt  }
0x7c: {  	_ =	shalt  }
0x7d: {  	_ =	shalt  }
0x7e: {  	_ =	shalt  }
0x7f: {  	_ =	shalt  }
0x80: {  	_ =	shalt  }
0x81: {  	_ =	shalt  }
0x82: {  	_ =	shalt  }
0x83: {  	_ =	shalt  }
0x84: {  	_ =	shalt  }
0x85: {  	_ =	shalt  }
0x86: {  	_ =	shalt  }
0x87: {  	_ =	shalt  }
.Lfunc_end0:
.L_simem_size_0:
called_computation.1_lowered:
.L_overlay_start_0:
0x88: {  	s2 =	sld [smem:$0x3FD9]  }
0x89: {  	s3 =	sld [smem:$0x3FFE];
	_ =	sdelay $0x1  }
0x8a: {  	s1 =	srdreg.scid  }
0x8b: {  	s0 =	sand.u32 $0x1, s1  }
0x8c: {  	s14 =	sshll.u32 s0, $0xA;
	s2 =	sadd.s32 s3, s2  }
0x8d: {  	s2 =	sadd.s32 s2, s14  }
0x8e: {  	[smem:$0x3FBC] =	sst s2  }
0x8f: {  	_ = 	snop  }
0x90: {  	s2 =	sld [smem:$0x3FD0];
	_ =	sdelay $0x2  }
0x91: {  	s15 =	simm.s32 $0xA;
	s4 =	simm.s32 $0x10  }
0x92: {  	[smem:s4], [sflag:s15] =	dma.local [hbm:s2], $0x1  }
0x93: {  	_ =	swait.eq [sflag:s15], $0x1  }
0x94: {  	[sflag:s15] =	ssyncset.done $0x0  }
0x95: {  	s16 =	sld [smem:$0x10];
	[sflag:s15] =	ssyncadd.s32 $0xFFFFFFFF  }
0x96: {  	s17 =	sld [smem:$0x11];
	(tm) =	ssettm $0x1  }
0x97: {  	s18 =	sld [smem:$0x3FFB];
	_ =	sdelay $0x3  }
0x98: {  	_ =	strace s18  }
0x99: {  	s4 =	sld [smem:$0x3FFC];
	_ =	sdelay $0x3  }
0x9a: {  	_ =	strace s4  }
0x9b: {  	s4 =	sld [smem:$0x3FFD];
	_ =	sdelay $0x3  }
0x9c: {  	_ =	strace s4  }
0x9d: {  	_ =	strace $0x8FFFFFFF  }
0x9e: {  	s19 =	sld [smem:$0x3FDB];
	_ =	sdelay $0x1  }
0x9f: {  	s5 =	simm.s32 $_scs_section_size  }
0xa0: {  	s6 =	simm.s32 $_size__tile_overlayer_lowered;
	s7 =	simm.s32 $_tile_overlayer_lowered  }
0xa1: {  	s22 =	simm.s32 $0x1BFF;
	s21 =	sshll.u32 s7, $0x1;
	s4 =	sadd.s32 s5, s19  }
0xa2: {  	s8 =	simm.s32 $0x0;
	s20 =	sshll.u32 s6, $0x1;
	s6 =	sadd.s32 s21, s4  }
0xa3: {  	[timem:s8], [sflag:s22] =	dma.local [hbm:s6], s20  }
0xa4: {  	_ =	swait.ge [sflag:s22], s20  }
0xa5: {  	s5 =	ssub.s32 $0x0, s20;
	[sflag:s22] =	ssyncset.done $0x0  }
0xa6: {  	[sflag:s22] =	ssyncadd.s32 s5;
	_ =	sdelay $0x1  }
0xa7: {  	s23 =	simm.s32 $0x1B8B  }
0xa8: {  	_ =	swait.ge [sflag:s23], $0x1  }
0xa9: {  	[sflag:s23] =	ssyncset.done $0x0  }
0xaa: {  	s25 =	simm.s32 $0x1B8E;
	s24 =	sld [smem:$0x3FFE];
	[sflag:s23] =	ssyncadd.s32 $0xFFFFFFFF  }
0xab: {  	s26 =	simm.s32 $execute0_lowered;
	[smem:$0x3FD2] =	sst s25  }
0xac: {  	s6 =	sshll.u32 s26, $0x1;
	_ =	strace $0x80000049;
	[dreg:$0x1] =	wrdreg $0xFFFFFFFF  }
0xad: {  	s28 =	simm.s32 $_size_execute0_lowered;
	s4 =	sadd.s32 s4, s6;
	[dreg:$0x0] =	wrdreg $0x0  }
0xae: {  	s6 =	sshll.u32 s28, $0x1;
	[dreg:$0x2] =	wrdreg s4  }
0xaf: {  	[dreg:$0x3] =	wrdreg s6  }
0xb0: {  	[dreg:$0x4] =	wrdreg $0xC0  }
0xb1: {  	_ =	task [dreg:s8], $0x5FFFF  }
0xb2: {  	[dreg:$0x1] =	wrdreg $0xFFFFFFFF  }
0xb3: {  	[dreg:$0x0] =	wrdreg $0x60  }
0xb4: {  	[dreg:$0x2] =	wrdreg s17  }
0xb5: {  	[dreg:$0x3] =	wrdreg s16  }
0xb6: {  	[dreg:$0x4] =	wrdreg s24  }
0xb7: {  	[dreg:$0x5] =	wrdreg $0xA2000  }
0xb8: {  	[dreg:$0x6] =	wrdreg $0x9  }
0xb9: {  	_ =	task.clear_ibuf [dreg:s8], $0x7FFFF;
	_ =	strace $0x90000049  }
0xba: {  	s29 =	simm.s32 $0x9;
	_ =	strace $0x8000004B  }
0xbb: {  	_ =	swait.ge [sflag:s29], $0x1  }
0xbc: {  	[sflag:s29] =	ssyncadd.s32 $0xFFFFFFFF  }
0xbd: {  	_ =	strace $0x9000004B  }
0xbe: {  	_ =	sfence  }
0xbf: {  	s30 =	sld [smem:$0x0];
	_ =	sdelay $0x2  }
0xc0: {  	s31 =	sshll.u32 s1, $0xD;
	s1 =	sshrl.u32 s1, $0x2  }
0xc1: {  	s3 =	sand.u32 $0x4000, s31;
	s1 =	sadd.s32 s1, s30  }
0xc2: {  	s0 =	sor.u32 s3, s0;
	s1 =	sshll.u32 s1, $0x11  }
0xc3: {  	s0 =	sor.u32 s1, s0  }
0xc4: {  	s0 =	sadd.s32 $0x8F2B, s0  }
0xc5: {  	[sflag:s0] =	ssyncadd.remote.s32 $0x1  }
0xc6: {  	_ =	sfence.sel $0xFFFF  }
0xc7: {  	[dreg:$0x0] =	wrdreg $0xFFFFFFFF;
	(pc) =	sbr.abs _section_cstart, $3  }
0xc8: {  	[dreg:$0x1] =	wrdreg $0xFFFFFFFF  }
0xc9: {  	_ =	task.clear_ibuf [dreg:s8], $0x2FFFF;
	_ =	strace $0x9FFFFFFF  }
0xca: {  	(tm) =	ssettm $0x7FFFFFFF  }
0xcb: {  	_ =	shalt  }
tec
execute0_lowered:
.L_overlay_start_1:
0x0: {  	(tag) =	ssettag $0x1  }
0x1: {  	s0 =	rddreg [dreg:$0x0]  }
0x2: {  	s1 =	rddreg [dreg:$0x1]  }
0x3: {  	s5 =	rddreg [dreg:$0x2]  }
0x4: {  	s3 =	srdreg.scid;
	s2 =	rddreg [dreg:$0x3]  }
0x5: {  	s4 =	stileid.u32;
	s29 =	simm.s32 $0x3;
	s30 =	simm.s32 $0x4  }
0x6: {  	s31 =	simm.s32 $0x0;
	s12 =	sand.u32 $0x1, s3;
	s7 =	smul.u32 $0x13C00, s4  }
0x7: {  	s3 =	simm.s32 $0x0;
	s8 =	sadd.s32 $0x3200, s5;
	s14 =	smul.u32 $0x4E200, s4  }
0x8: {  	s16 =	sshll.u32 s4, $0x1;
	s21 =	sshll.u32 s4, $0x6;
	s6 =	smul.u32 $0x13C000, s12  }
0x9: {  	[smem:$0x7FF] =	sst s3;
	s17 =	ssub.s32 $0x2, s12;
	s18 =	sor.u32 s12, s16  }
0xa: {  	s28 =	smul.u32 $0x27100, s12;
	_ =	strace $0x8000004A;
	[dreg:$0x5] =	wrdreg s8  }
0xb: {  	s19 =	sshrl.u32 s17, $0x1;
	s20 =	sshrl.u32 s14, $0x2;
	s9 =	smul.u32 $0x138800, s18  }
0xc: {  	s22 =	sshll.u32 s18, $0xB;
	s23 =	smul.u32 $0x27100, s18;
	s18 =	simm.s32 $0x200  }
0xd: {  	s6 =	sadd.s32 s7, s6;
	s11 =	ssub.s32 s17, s19;
	s16 =	sadd.s32 s20, s2  }
0xe: {  	s19 =	simm.s32 $0x80;
	s20 =	simm.s32 $0x2A00;
	s6 =	sshrl.u32 s6, $0x3  }
0xf: {  	s9 =	sshrl.u32 s9, $0x3;
	s7 =	sadd.s32 s0, s23;
	s11 =	smax.u32 s11, $0x1  }
0x10: {  	s17 =	sshrl.u32 s16, $0x3;
	s23 =	simm.s32 $0x50;
	s10 =	sadd.s32 s6, s5  }
0x11: {  	s5 =	sor.u32 $0x1C04, s21;
	s6 =	sadd.s32 s1, s22;
	s24 =	sadd.s32 s0, s9  }
0x12: {  	s13 =	sadd.s32 $0xA00, s7;
	s0 =	sadd.s32 s14, s0;
	s15 =	sadd.s32 $0xF00, s7  }
0x13: {  	s21 =	simm.s32 $0x1;
	s22 =	simm.s32 $0x2;
	s25 =	sadd.s32 $0x10, s6  }
0x14: {  	s1 =	sadd.s32 $0x500, s24;
	s26 =	sadd.s32 $0x5A00, s10;
	[dreg:$0x6] =	wrdreg s25  }
0x15: {  	s12 =	sadd.s32 $0x20, s6;
	s0 =	sadd.s32 s28, s0;
	[dreg:$0x7] =	wrdreg s1  }
0x16: {  	s14 =	sadd.s32 $0x30, s6;
	[dreg:$0x8] =	wrdreg s26;
	s25 =	sadd.s32 $0x1400, s0  }
.LBB2_1:
0x17: {  	s0 =	rddreg [dreg:$0x5]  }
0x18: {  	[spmem:s17], [sflag:s5] =	dma.local [hbm:s0], $0x2710  }
0x19: {  	_ =	swait.ge [sflag:s30], $0x2710  }
0x1a: {  	[sflag:s30] =	ssyncset.done $0x0  }
0x1b: {  	[sflag:s30] =	ssyncadd.s32 $0xFFFFD8F0  }
0x1c: {  	[bflag:$0x0] =	sbarrier.arrive $0xFFFF  }
0x1d: {  	[tilespmem:s3], [sflag:$0x1] =	stream.linear.gather [hbm4b:s6+s3], $0x80, $0x38;
	[tilespmem:$0x1DA80] =	vst v63  }
0x1e: {  	_ = 	snop  }
0x1f: {  	[tilespmem:s18], [sflag:$0x2] =	stream.linear.gather [hbm4b:s7+s3], $0x2800, $0x38;
	[tilespmem:$0x1DA80] =	vst v63  }
0x20: {  	s4 =	rddreg [dreg:$0x6]  }
0x21: {  	[tilespmem:s19], [sflag:$0x1] =	stream.linear.gather [hbm4b:s4+s3], $0x80, $0x38;
	[tilespmem:$0x1DA80] =	vst v63  }
0x22: {  	s8 =	rddreg [dreg:$0x7]  }
0x23: {  	[tilespmem:s20], [sflag:$0x2] =	stream.linear.gather [hbm4b:s8+s3], $0x2800, $0x38;
	[tilespmem:$0x1DA80] =	vst v63  }
0x24: {  	_ =	swait.ge [sflag:s21], $0x80  }
0x25: {  	[sflag:s21] =	ssyncset.done $0x0  }
0x26: {  	[sflag:s21] =	ssyncadd.s32 $0xFFFFFF80  }
0x27: {  	_ =	swait.ge [sflag:s22], $0x2800  }
0x28: {  	[sflag:s22] =	ssyncset.done $0x0  }
0x29: {  	[sflag:s22] =	ssyncadd.s32 $0xFFFFD800  }
0x2a: {  	[spmem:s2] =	stream.indirect.scatter.add.f32 [tilespmem:s18], [sflag:$0x3], $0x80, s3, s23, $0xb8;
	[tilespmem:$0x1DA80] =	vst v63  }
0x2b: {  	s9 =	simm.s32 $0x100  }
0x2c: {  	[tilespmem:s9], [sflag:$0x1] =	stream.linear.gather [hbm4b:s12+s3], $0x80, $0x38;
	[tilespmem:$0x1DA80] =	vst v63  }
0x2d: {  	s10 =	simm.s32 $0x5200  }
0x2e: {  	[tilespmem:s10], [sflag:$0x2] =	stream.linear.gather [hbm4b:s13+s3], $0x2800, $0x38;
	[tilespmem:$0x1DA80] =	vst v63  }
0x2f: {  	_ =	swait.ge [sflag:s21], $0x80  }
0x30: {  	[sflag:s21] =	ssyncset.done $0x0  }
0x31: {  	[sflag:s21] =	ssyncadd.s32 $0xFFFFFF80  }
0x32: {  	_ =	swait.ge [sflag:s22], $0x2800  }
0x33: {  	[sflag:s22] =	ssyncset.done $0x0  }
0x34: {  	[sflag:s22] =	ssyncadd.s32 $0xFFFFD800  }
0x35: {  	[spmem:s2] =	stream.indirect.scatter.add.f32 [tilespmem:s20], [sflag:$0x3], $0x80, s19, s23, $0xb8;
	[tilespmem:$0x1DA80] =	vst v63  }
0x36: {  	s16 =	simm.s32 $0x180  }
0x37: {  	[tilespmem:s16], [sflag:$0x1] =	stream.linear.gather [hbm4b:s14+s3], $0x80, $0x38;
	[tilespmem:$0x1DA80] =	vst v63  }
0x38: {  	s24 =	simm.s32 $0x7A00  }
0x39: {  	[tilespmem:s24], [sflag:$0x2] =	stream.linear.gather [hbm4b:s15+s3], $0x2800, $0x38;
	[tilespmem:$0x1DA80] =	vst v63  }
0x3a: {  	s26 =	simm.s32 $0x2;
	_ =	swait.ge [sflag:s21], $0x80  }
0x3b: {  	s0 =	sand.u32 $0x3, s26;
	[sflag:s21] =	ssyncset.done $0x0  }
0x3c: {  	s1 =	smul.u32 $0xA000, s0;
	[sflag:s21] =	ssyncadd.s32 $0xFFFFFF80  }
0x3d: {  	p0 =	por $0x0, $0x0;
	s0 =	sshll.u32 s0, $0x7;
	_ =	swait.ge [sflag:s22], $0x2800  }
0x3e: {  	s1 =	sshrl.u32 s1, $0x2;
	s16 =	simm.s32 $0x40;
	[sflag:s22] =	ssyncset.done $0x0  }
0x3f: {  	s1 =	sor.u32 $0x200, s1;
	s26 =	sand.u32 @!p0 $0xF80, s16;
	[sflag:s22] =	ssyncadd.s32 $0xFFFFD800  }
0x40: {  	[spmem:s2] =	stream.indirect.scatter.add.f32 [tilespmem:s1], [sflag:$0x3], $0x80, s0, s23, $0xb8;
	[tilespmem:$0x1DA80] =	vst v63  }
0x41: {  	s24 =	sand.u32 @!p0 $0x3, s30;
	s0 =	sand.u32 @!p0 $0x70, s16;
	s1 =	sadd.s32 @!p0 s26, s6  }
0x42: {  	s16 =	smul.u32 @!p0 $0xA000, s24;
	s24 =	sshll.u32 @!p0 s24, $0x7;
	_ =	swait.ge [sflag:s29], $0x2800  }
0x43: {  	s26 =	simm.s32 @!p0 $0x0;
	s0 =	sadd.s32 @!p0 s0, s1;
	[sflag:s29] =	ssyncset.done $0x0  }
0x44: {  	s1 =	sadd.s32 $0x500, s25;
	s28 =	sshrl.u32 @!p0 s16, $0x2;
	[sflag:s29] =	ssyncadd.s32 $0xFFFFD800  }
0x45: {  	[tilespmem:s24], [sflag:$0x1] =	stream.linear.gather @!p0 [hbm4b:s0+s26], $0x80, $0x38;
	[tilespmem:$0x1DA80] =	vst v63  }
0x46: {  	s16 =	smov.u32 s25;
	s0 =	simm.s32 $0x50;
	s24 =	simm.s32 $0x4  }
.LBB2_2:
0x47: {  	s28 =	sor.u32 @!p0 $0x200, s28  }
0x48: {  	s24 =	sadd.s32 $0x1, s24;
	s4 =	smov.u32 s0;
	s0 =	sadd.s32 $0x10, s0  }
0x49: {  	[tilespmem:s28], [sflag:$0x2] =	stream.linear.gather @!p0 [hbm4b:s16+s26], $0x2800, $0x38;
	[tilespmem:$0x1DA80] =	vst v63  }
0x4a: {  	p1 =	sne.s32 s0, $0x7F0;
	s16 =	smov.u32 s1  }
0x4b: {  	s26 =	sadd.s32 $0xFFFFFFFE, s24;
	_ =	swait.ge [sflag:s21], $0x80  }
0x4c: {  	s28 =	sand.u32 $0x3, s26;
	[sflag:s21] =	ssyncset.done $0x0  }
0x4d: {  	s8 =	smul.u32 $0xA000, s28;
	[sflag:s21] =	ssyncadd.s32 $0xFFFFFF80  }
0x4e: {  	s1 =	sadd.s32 $0x500, s1;
	_ =	swait.ge [sflag:s22], $0x2800  }
0x4f: {  	p0 =	sgt.u32 s26, $0x7A;
	s8 =	sshrl.u32 s8, $0x2;
	[sflag:s22] =	ssyncset.done $0x0  }
0x50: {  	s26 =	sshll.u32 s28, $0x7;
	s28 =	sand.u32 @!p0 $0x3, s24;
	s8 =	sor.u32 $0x200, s8  }
0x51: {  	s9 =	sand.u32 @!p0 $0xF80, s4;
	s4 =	sand.u32 @!p0 $0x70, s4;
	[sflag:s22] =	ssyncadd.s32 $0xFFFFD800  }
0x52: {  	[spmem:s2] =	stream.indirect.scatter.add.f32 [tilespmem:s8], [sflag:$0x3], $0x80, s26, s23, $0xb8;
	[tilespmem:$0x1DA80] =	vst v63  }
.Ltmp0:
0x53: {  	_ = 	snop;
	(pc) =	sbr.rel @p1 .LBB2_2-.Ltmp0, $4  }
0x54: {  	s8 =	sadd.s32 @!p0 s9, s6;
	s9 =	smul.u32 @!p0 $0xA000, s28;
	_ =	swait.ge [sflag:s29], $0x2800  }
0x55: {  	s10 =	sshll.u32 @!p0 s28, $0x7;
	s4 =	sadd.s32 @!p0 s4, s8;
	[sflag:s29] =	ssyncset.done $0x0  }
0x56: {  	s26 =	simm.s32 @!p0 $0x0;
	s28 =	sshrl.u32 @!p0 s9, $0x2;
	[sflag:s29] =	ssyncadd.s32 $0xFFFFD800  }
0x57: {  	[tilespmem:s10], [sflag:$0x1] =	stream.linear.gather @!p0 [hbm4b:s4+s26], $0x80, $0x38;
	[tilespmem:$0x1DA80] =	vst v63  }
0x58: {  	s0 =	sor.u32 @!p0 $0x200, s28  }
0x59: {  	[tilespmem:s0], [sflag:$0x2] =	stream.linear.gather @!p0 [hbm4b:s16+s26], $0x2800, $0x38;
	[tilespmem:$0x1DA80] =	vst v63  }
0x5a: {  	_ =	swait.ge [sflag:s29], $0x2800  }
0x5b: {  	[sflag:s29] =	ssyncset.done $0x0  }
0x5c: {  	[sflag:s29] =	ssyncadd.s32 $0xFFFFD800  }
0x5d: {  	_ =	swait.ge [sflag:s29], $0x2800  }
0x5e: {  	[sflag:s29] =	ssyncset.done $0x0  }
0x5f: {  	s31 =	sadd.s32 $0x1, s31;
	[sflag:s29] =	ssyncadd.s32 $0xFFFFD800  }
0x60: {  	p0 =	sne.s32 s31, s11;
	[bflag:$0x0] =	sbarrier.arrive $0xFFFF  }
.Ltmp1:
0x61: {  	s28 =	rddreg [dreg:$0x8];
	(pc) =	sbr.rel @p0 .LBB2_1-.Ltmp1, $4  }
0x62: {  	[hbm:s28], [sflag:s5] =	dma.local [spmem:s17], $0x2710  }
0x63: {  	_ =	swait.ge [sflag:s30], $0x2710  }
0x64: {  	[sflag:s30] =	ssyncset.done $0x0  }
0x65: {  	[sflag:s30] =	ssyncadd.s32 $0xFFFFD8F0  }
0x66: {  	_ =	sfence.sel $0x180000  }
0x67: {  	[bflag:$0x0] =	sbarrier.arrive $0xFFFF  }
0x68: {  	_ =	strace $0x9000004A  }
0x69: {  	s0 =	stileid.u32;
	[bflag:$0x2] =	sbarrier.arrive $0xFFFF  }
0x6a: {  	p0 =	sne.s32 s0, $0x0;
	s0 =	rddreg [dreg:$0x4]  }
0x6b: {  	s0 =	sadd.s32 @!p0 $0x100000, s0  }
0x6c: {  	[sflag:s0] =	ssyncadd.tile.s32 @!p0 $0x1;
	_ =	shalt  }
.Lfunc_end2:
_tile_overlayer_lowered:
.L_overlay_start_2:
0x6d: {  	(tag) =	ssettag $0x2  }
0x6e: {  	s0 =	rddreg [dreg:$0x0];
	s2 =	stileid.u32  }
0x6f: {  	s1 =	rddreg [dreg:$0x1];
	p0 =	sne.s32 s2, $0x0  }
0x70: {  	s3 =	rddreg [dreg:$0x2];
	[bflag:$0x3] =	sbarrier.arrive $0xFFFF;
	s2 =	simm.s32 @!p0 $0x1C04  }
0x71: {  	[timem:s3], [sflag:s2] =	dma.local @!p0 [hbm:s0], s1  }
0x72: {  	s0 =	simm.s32 @!p0 $0x4  }
0x73: {  	_ =	swait.ge @!p0 [sflag:s0], s1  }
0x74: {  	s1 =	ssub.s32 @!p0 $0x0, s1;
	[sflag:s0] =	ssyncset.done @!p0 $0x0  }
0x75: {  	[sflag:s0] =	ssyncadd.s32 @!p0 s1  }
0x76: {  	[bflag:$0x3] =	sbarrier.arrive $0xFFFF  }
0x77: {  	_ =	shalt  }

// kernel: kernel.7.cloned.1.call-start
scs
__scs_entry_jumppad:
0x0: {  	(pc) =	sbr.rel $0x88, $3  }
0x1: {  	(tag) =	ssettag $0x0;
	lr =	simm.s32 $0x1  }
0x2: {  	[smem:$0x3F95] =	sst lr;
	_ =	strace $0xD0000000  }
0x3: {  	_ = 	snop  }
0x4: {  	_ = 	snop  }
0x5: {  	_ = 	snop  }
0x6: {  	_ = 	snop  }
0x7: {  	_ = 	snop  }
__scs_overlays_trampoline_lowered:
0x8: {  	[smem:$0x3FA4] =	sst s0  }
0x9: {  	[smem:$0x3FA5] =	sst s1  }
0xa: {  	[smem:$0x3FA6] =	sst s2  }
0xb: {  	[smem:$0x3FA7] =	sst s3  }
0xc: {  	[smem:$0x3FA8] =	sst s4  }
0xd: {  	[smem:$0x3FA9] =	sst s5  }
0xe: {  	[smem:$0x3FAA] =	sst s6  }
0xf: {  	[smem:$0x3FAB] =	sst s7  }
0x10: {  	[smem:$0x3FAC] =	sst s8  }
0x11: {  	[smem:$0x3FAD] =	sst s9;
	s0 =	simm.s32 @!p0 $0x0  }
0x12: {  	s1 =	sld [smem:$0x3F93];
	s0 =	simm.s32 @p0 $0x1  }
0x13: {  	[smem:$0x3FAE] =	sst s0;
	s0 =	simm.s32 @!p1 $0x0  }
0x14: {  	s2 =	sld [smem:$0x3F92];
	s0 =	simm.s32 @p1 $0x1  }
0x15: {  	[smem:$0x3FAF] =	sst s0;
	s0 =	simm.s32 @!p2 $0x0  }
0x16: {  	s3 =	sld [smem:$0x3FDB];
	s0 =	simm.s32 @p2 $0x1  }
0x17: {  	s4 =	simm.s32 $0x1BF5;
	[smem:$0x3FB1] =	sst s0  }
0x18: {  	s0 =	sld [smem:$0x3F94];
	_ =	swait.ge [sflag:s4], $0x0  }
0x19: {  	s7 =	sld [smem:$0x3F95]  }
0x1a: {  	s8 =	sadd.s32 $0xFFFFE003, lr  }
0x1b: {  	s9 =	sadd.s32 $0xFFFFFEF7, lr;
	s5 =	simm.s32 $0xFFFFFFFF;
	p2 =	slt.u32 s8, $0xFFFFF086  }
0x1c: {  	p1 =	slt.u32 s9, $0xF7A;
	s5 =	simm.s32 @!p2 $0x0  }
0x1d: {  	s5 =	simm.s32 @p1 $0x1;
	p0 =	seq.s32 s7, s2  }
0x1e: {  	s7 =	smul.u32 @!p0 $0xF7A, s2;
	p2 =	seq.s32 @!p0 s5, $0x0  }
0x1f: {  	s9 =	smul.u32 $0xF7A, s1;
	s8 =	simm.s32 @!p0 $0x1BF5;
	p2 =	por !p2, p0  }
0x20: {  	[sflag:s8] =	ssyncset.s32 @!p0 $0xFFFFF086;
	s6 =	sadd.s32 @!p0 s3, s7;
	s7 =	simm.s32 @!p0 $0x108  }
0x21: {  	s3 =	sadd.s32 s3, s9;
	s6 =	sadd.s32 @!p0 $0x88, s6;
	s7 =	simm.s32 @p2 $0x1082  }
0x22: {  	[simem:s7], [sflag:s8] =	dma.local @!p0 [hbm:s6], $0xF7A  }
0x23: {  	s9 =	sor.u32 $0xD0000000, s2;
	s6 =	simm.s32 $0x108;
	_ =	swait.ge @!p0 [sflag:s8], $0x0  }
0x24: {  	s3 =	sadd.s32 $0x88, s3;
	s6 =	simm.s32 @!p1 $0x1082;
	[sflag:s4] =	ssyncset.s32 $0xFFFFF086  }
0x25: {  	[simem:s6], [sflag:s4] =	dma.local [hbm:s3], $0xF7A  }
0x26: {  	[smem:$0x3F95] =	sst s1;
	(tag) =	ssettag s2;
	_ =	strace s9  }
0x27: {  	s1 =	sld [smem:$0x3FA5]  }
0x28: {  	s2 =	sld [smem:$0x3FA6]  }
0x29: {  	s4 =	sld [smem:$0x3FA8]  }
0x2a: {  	p0 =	seq.s32 s5, $0x0;
	s5 =	sld [smem:$0x3FA9]  }
0x2b: {  	s6 =	sld [smem:$0x3FAA]  }
0x2c: {  	s7 =	sld [smem:$0x3FAB]  }
0x2d: {  	s3 =	simm.s32 $0x108;
	s8 =	sld [smem:$0x3FAC]  }
0x2e: {  	s3 =	simm.s32 @!p0 $0x1082;
	s9 =	sld [smem:$0x3FAD]  }
0x2f: {  	lr =	sadd.s32 s0, s3;
	s0 =	sld [smem:$0x3FA4]  }
0x30: {  	s3 =	sld [smem:$0x3FA7]  }
0x31: {  	[smem:$0x3FB0] =	sst s10  }
0x32: {  	s10 =	sld [smem:$0x3FAE];
	_ =	sdelay $0x3  }
0x33: {  	p0 =	seq.s32 s10, $0x1;
	s10 =	sld [smem:$0x3FB0];
	_ =	sdelay $0x3  }
0x34: {  	[smem:$0x3FB0] =	sst s10  }
0x35: {  	s10 =	sld [smem:$0x3FAF];
	_ =	sdelay $0x3  }
0x36: {  	p1 =	seq.s32 s10, $0x1;
	s10 =	sld [smem:$0x3FB0];
	_ =	sdelay $0x3  }
0x37: {  	[smem:$0x3FB0] =	sst s10  }
0x38: {  	s10 =	sld [smem:$0x3FB1]  }
0x39: {  	_ = 	snop;
	(pc) =	sbr.ind lr, $3  }
0x3a: {  	_ = 	snop  }
0x3b: {  	_ = 	snop  }
0x3c: {  	p2 =	seq.s32 s10, $0x1;
	s10 =	sld [smem:$0x3FB0]  }
0x3d: {  	_ =	shalt  }
0x3e: {  	_ =	shalt  }
0x3f: {  	_ =	shalt  }
0x40: {  	_ =	shalt  }
0x41: {  	_ =	shalt  }
0x42: {  	_ =	shalt  }
0x43: {  	_ =	shalt  }
0x44: {  	_ =	shalt  }
0x45: {  	_ =	shalt  }
0x46: {  	_ =	shalt  }
0x47: {  	_ =	shalt  }
0x48: {  	_ =	shalt  }
0x49: {  	_ =	shalt  }
0x4a: {  	_ =	shalt  }
0x4b: {  	_ =	shalt  }
0x4c: {  	_ =	shalt  }
0x4d: {  	_ =	shalt  }
0x4e: {  	_ =	shalt  }
0x4f: {  	_ =	shalt  }
0x50: {  	_ =	shalt  }
0x51: {  	_ =	shalt  }
0x52: {  	_ =	shalt  }
0x53: {  	_ =	shalt  }
0x54: {  	_ =	shalt  }
0x55: {  	_ =	shalt  }
0x56: {  	_ =	shalt  }
0x57: {  	_ =	shalt  }
0x58: {  	_ =	shalt  }
0x59: {  	_ =	shalt  }
0x5a: {  	_ =	shalt  }
0x5b: {  	_ =	shalt  }
0x5c: {  	_ =	shalt  }
0x5d: {  	_ =	shalt  }
0x5e: {  	_ =	shalt  }
0x5f: {  	_ =	shalt  }
0x60: {  	_ =	shalt  }
0x61: {  	_ =	shalt  }
0x62: {  	_ =	shalt  }
0x63: {  	_ =	shalt  }
0x64: {  	_ =	shalt  }
0x65: {  	_ =	shalt  }
0x66: {  	_ =	shalt  }
0x67: {  	_ =	shalt  }
0x68: {  	_ =	shalt  }
0x69: {  	_ =	shalt  }
0x6a: {  	_ =	shalt  }
0x6b: {  	_ =	shalt  }
0x6c: {  	_ =	shalt  }
0x6d: {  	_ =	shalt  }
0x6e: {  	_ =	shalt  }
0x6f: {  	_ =	shalt  }
0x70: {  	_ =	shalt  }
0x71: {  	_ =	shalt  }
0x72: {  	_ =	shalt  }
0x73: {  	_ =	shalt  }
0x74: {  	_ =	shalt  }
0x75: {  	_ =	shalt  }
0x76: {  	_ =	shalt  }
0x77: {  	_ =	shalt  }
0x78: {  	_ =	shalt  }
0x79: {  	_ =	shalt  }
0x7a: {  	_ =	shalt  }
0x7b: {  	_ =	shalt  }
0x7c: {  	_ =	shalt  }
0x7d: {  	_ =	shalt  }
0x7e: {  	_ =	shalt  }
0x7f: {  	_ =	shalt  }
0x80: {  	_ =	shalt  }
0x81: {  	_ =	shalt  }
0x82: {  	_ =	shalt  }
0x83: {  	_ =	shalt  }
0x84: {  	_ =	shalt  }
0x85: {  	_ =	shalt  }
0x86: {  	_ =	shalt  }
0x87: {  	_ =	shalt  }
.Lfunc_end0:
.L_simem_size_0:
called_computation_lowered:
.L_overlay_start_0:
0x88: {  	s2 =	sld [smem:$0x3FD9]  }
0x89: {  	s3 =	sld [smem:$0x3FFE];
	_ =	sdelay $0x1  }
0x8a: {  	s1 =	srdreg.scid  }
0x8b: {  	s0 =	sand.u32 $0x1, s1  }
0x8c: {  	s14 =	sshll.u32 s0, $0xA;
	s2 =	sadd.s32 s3, s2  }
0x8d: {  	s2 =	sadd.s32 s2, s14  }
0x8e: {  	[smem:$0x3FBC] =	sst s2  }
0x8f: {  	_ = 	snop  }
0x90: {  	s2 =	sld [smem:$0x3FD0];
	_ =	sdelay $0x2  }
0x91: {  	s15 =	simm.s32 $0xA;
	s4 =	simm.s32 $0x10  }
0x92: {  	[smem:s4], [sflag:s15] =	dma.local [hbm:s2], $0x1  }
0x93: {  	_ =	swait.eq [sflag:s15], $0x1  }
0x94: {  	[sflag:s15] =	ssyncset.done $0x0  }
0x95: {  	[sflag:s15] =	ssyncadd.s32 $0xFFFFFFFF  }
0x96: {  	s16 =	sld [smem:$0x11];
	(tm) =	ssettm $0x1  }
0x97: {  	s17 =	sld [smem:$0x3FFB];
	_ =	sdelay $0x3  }
0x98: {  	_ =	strace s17  }
0x99: {  	s3 =	sld [smem:$0x3FFC];
	_ =	sdelay $0x3  }
0x9a: {  	_ =	strace s3  }
0x9b: {  	s3 =	sld [smem:$0x3FFD];
	_ =	sdelay $0x3  }
0x9c: {  	_ =	strace s3  }
0x9d: {  	_ =	strace $0x8FFFFFFF  }
0x9e: {  	s18 =	sld [smem:$0x3FDB];
	_ =	sdelay $0x1  }
0x9f: {  	s19 =	simm.s32 $_scs_section_size  }
0xa0: {  	s5 =	simm.s32 $_size__tile_overlayer_lowered;
	s6 =	simm.s32 $_tile_overlayer_lowered  }
0xa1: {  	s22 =	simm.s32 $0x1BFF;
	s21 =	sshll.u32 s6, $0x1;
	s3 =	sadd.s32 s19, s18  }
0xa2: {  	s7 =	simm.s32 $0x0;
	s20 =	sshll.u32 s5, $0x1;
	s5 =	sadd.s32 s21, s3  }
0xa3: {  	[timem:s7], [sflag:s22] =	dma.local [hbm:s5], s20  }
0xa4: {  	_ =	swait.ge [sflag:s22], s20  }
0xa5: {  	s4 =	ssub.s32 $0x0, s20;
	[sflag:s22] =	ssyncset.done $0x0  }
0xa6: {  	[sflag:s22] =	ssyncadd.s32 s4;
	_ =	sdelay $0x1  }
0xa7: {  	s23 =	simm.s32 $0x1B8B  }
0xa8: {  	_ =	swait.ge [sflag:s23], $0x1  }
0xa9: {  	[sflag:s23] =	ssyncset.done $0x0  }
0xaa: {  	s25 =	simm.s32 $0x1B8E;
	s24 =	sld [smem:$0x3FFE];
	[sflag:s23] =	ssyncadd.s32 $0xFFFFFFFF  }
0xab: {  	s26 =	simm.s32 $execute0_lowered;
	[smem:$0x3FD2] =	sst s25  }
0xac: {  	s5 =	sshll.u32 s26, $0x1;
	_ =	strace $0x80000046;
	[dreg:$0x1] =	wrdreg $0xFFFFFFFF  }
0xad: {  	s28 =	simm.s32 $_size_execute0_lowered;
	s3 =	sadd.s32 s3, s5;
	[dreg:$0x0] =	wrdreg $0x0  }
0xae: {  	s5 =	sshll.u32 s28, $0x1;
	[dreg:$0x2] =	wrdreg s3  }
0xaf: {  	[dreg:$0x3] =	wrdreg s5  }
0xb0: {  	[dreg:$0x4] =	wrdreg $0xC0  }
0xb1: {  	_ =	task [dreg:s7], $0x5FFFF  }
0xb2: {  	[dreg:$0x1] =	wrdreg $0xFFFFFFFF  }
0xb3: {  	[dreg:$0x0] =	wrdreg $0x60  }
0xb4: {  	[dreg:$0x2] =	wrdreg s16  }
0xb5: {  	[dreg:$0x3] =	wrdreg s24  }
0xb6: {  	[dreg:$0x4] =	wrdreg $0xC6800  }
0xb7: {  	[dreg:$0x5] =	wrdreg $0x9  }
0xb8: {  	_ =	task.clear_ibuf [dreg:s7], $0x6FFFF;
	_ =	strace $0x90000046  }
0xb9: {  	s29 =	simm.s32 $0x9;
	_ =	strace $0x80000048  }
0xba: {  	_ =	swait.ge [sflag:s29], $0x1  }
0xbb: {  	[sflag:s29] =	ssyncadd.s32 $0xFFFFFFFF  }
0xbc: {  	_ =	strace $0x90000048  }
0xbd: {  	_ =	sfence  }
0xbe: {  	s30 =	sld [smem:$0x0];
	_ =	sdelay $0x2  }
0xbf: {  	s31 =	sshll.u32 s1, $0xD;
	s1 =	sshrl.u32 s1, $0x2  }
0xc0: {  	s3 =	sand.u32 $0x4000, s31;
	s1 =	sadd.s32 s1, s30  }
0xc1: {  	s0 =	sor.u32 s3, s0;
	s1 =	sshll.u32 s1, $0x11  }
0xc2: {  	s0 =	sor.u32 s1, s0  }
0xc3: {  	s0 =	sadd.s32 $0x8F2B, s0  }
0xc4: {  	[sflag:s0] =	ssyncadd.remote.s32 $0x1  }
0xc5: {  	_ =	sfence.sel $0xFFFF  }
0xc6: {  	[dreg:$0x0] =	wrdreg $0xFFFFFFFF;
	(pc) =	sbr.abs _section_cstart, $3  }
0xc7: {  	[dreg:$0x1] =	wrdreg $0xFFFFFFFF  }
0xc8: {  	_ =	task.clear_ibuf [dreg:s7], $0x2FFFF;
	_ =	strace $0x9FFFFFFF  }
0xc9: {  	(tm) =	ssettm $0x7FFFFFFF  }
tec
execute0_lowered:
.L_overlay_start_1:
0x0: {  	(tag) =	ssettag $0x1  }
0x1: {  	s6 =	rddreg [dreg:$0x0]  }
0x2: {  	s4 =	rddreg [dreg:$0x1]  }
0x3: {  	s2 =	rddreg [dreg:$0x2]  }
0x4: {  	s1 =	stileid.u32;
	s0 =	rddreg [dreg:$0x3]  }
0x5: {  	s3 =	simm.s32 $0x0;
	s8 =	srdreg.scid;
	s15 =	simm.s32 $0x400  }
0x6: {  	s16 =	simm.s32 $0x50;
	s17 =	simm.s32 $0x4E80;
	s18 =	simm.s32 $0x7680  }
0x7: {  	s19 =	simm.s32 $0x1;
	s20 =	simm.s32 $0x2;
	s21 =	simm.s32 $0x0  }
0x8: {  	s5 =	sshrl.u32 s1, $0x3;
	[smem:$0x7FF] =	sst s3;
	s9 =	smul.u32 $0x2780, s1  }
0x9: {  	s7 =	sshll.u32 s1, $0x7;
	s11 =	sand.u32 $0x1, s8;
	s28 =	smul.u32 $0x4E200, s1  }
0xa: {  	s31 =	sshll.u32 s1, $0x6;
	s5 =	smul.u32 $0x27400, s5;
	_ =	strace $0x80000047  }
0xb: {  	s7 =	sand.u32 $0x380, s7;
	s8 =	ssub.s32 $0x2, s11;
	p0 =	seq.s32 s11, $0x0  }
0xc: {  	s11 =	sor.u32 $0x1C03, s31;
	s10 =	sadd.s32 s9, s4;
	s29 =	sshrl.u32 s8, $0x1  }
0xd: {  	s13 =	sadd.s32 s28, s4;
	s30 =	sshrl.u32 s28, $0x2;
	s6 =	sadd.s32 s6, s9  }
.Ltmp0:
0xe: {  	s5 =	sor.u32 s7, s5;
	s8 =	ssub.s32 s8, s29;
	(pc) =	sbr.rel .LBB2_1-.Ltmp0, $4  }
0xf: {  	s14 =	sadd.s32 s30, s2;
	s9 =	sadd.s32 $0x520600, s13;
	s5 =	sshrl.u32 s5, $0x3  }
0x10: {  	s8 =	smax.u32 s8, $0x1;
	s12 =	sadd.s32 s5, s4;
	s4 =	sadd.s32 $0x3200, s10  }
0x11: {  	s10 =	sadd.s32 $0x3E600, s13;
	s13 =	simm.s32 $0x3;
	s5 =	sadd.s32 $0x34800, s12  }
0x12: {  	s7 =	sadd.s32 $0x2AA00, s12;
	s12 =	sshrl.u32 s14, $0x3;
	s14 =	simm.s32 $0x80  }
.LBB2_6:
0x13: {  	s21 =	sadd.s32 $0x1, s21  }
0x14: {  	p1 =	sne.s32 s21, s8  }
.Ltmp1:
0x15: {  	_ = 	snop;
	(pc) =	sbr.rel @!p1 .LBB2_7-.Ltmp1, $4  }
0x16: {  	_ = 	snop  }
0x17: {  	_ =	swait.ge [sflag:s20], $0x2800  }
0x18: {  	[sflag:s20] =	ssyncset.done $0x0  }
0x19: {  	[sflag:s20] =	ssyncadd.s32 $0xFFFFD800  }
.LBB2_1:
.Ltmp2:
0x1a: {  	(pc) =	sbr.rel @!p0 .LBB2_2-.Ltmp2, $1  }
0x1b: {  	_ =	sdelay $0x3  }
0x1c: {  	[spmem:s12], [sflag:s11] =	dma.local [hbm:s6], $0x2710  }
0x1d: {  	_ =	swait.ge [sflag:s13], $0x2710  }
0x1e: {  	[sflag:s13] =	ssyncset.done $0x0  }
0x1f: {  	s22 =	simm.s32 $0x0;
	[sflag:s13] =	ssyncadd.s32 $0xFFFFD8F0  }
0x20: {  	[tilespmem:s22], [sflag:$0x3] =	stream.strided.gather [hbm4b:s7+s14], $0x4E80, s15, s14, $0x38;
	[tilespmem:$0x1FF00] =	vst v63  }
0x21: {  	_ =	swait.ge [sflag:s13], $0x4E80  }
0x22: {  	[sflag:s13] =	ssyncset.done $0x0  }
0x23: {  	[sflag:s13] =	ssyncadd.s32 $0xFFFFB180  }
0x24: {  	[bflag:$0x0] =	sbarrier.arrive $0xFFFF  }
0x25: {  	[tilespmem:s17], [sflag:$0x1] =	stream.indirect.gather [spmem:s2], $0x80, s22, s16, $0xb8;
	[tilespmem:$0x1FF00] =	vst v63  }
0x26: {  	s23 =	simm.s32 $0xA0;
	s24 =	smov.u32 s10  }
0x27: {  	[tilespmem:s18], [sflag:$0x1] =	stream.indirect.gather [spmem:s2], $0x80, s16, s16, $0xb8;
	[tilespmem:$0x1FF00] =	vst v63  }
.LBB2_5:
0x28: {  	s25 =	smul.u32 $0xAB, s22;
	_ =	sdelay $0x1  }
0x29: {  	s25 =	sshrl.u32 s25, $0x9  }
0x2a: {  	s25 =	sand.u32 $0x7F, s25  }
0x2b: {  	s25 =	smul.u32 $0x3, s25;
	_ =	sdelay $0x1  }
0x2c: {  	s25 =	ssub.s32 s22, s25  }
0x2d: {  	s25 =	sand.u32 $0xFF, s25  }
0x2e: {  	s25 =	smul.u32 $0xA000, s25  }
0x2f: {  	_ =	swait.ge [sflag:s19], $0x2800  }
0x30: {  	[sflag:s19] =	ssyncset.done $0x0;
	s25 =	sshrl.u32 s25, $0x2  }
0x31: {  	p1 =	seq.s32 s22, $0x0;
	[sflag:s19] =	ssyncadd.s32 $0xFFFFD800;
	s25 =	sadd.s32 $0x4E80, s25  }
0x32: {  	[hbm4b:s24+s3] =	stream.linear.scatter [tilespmem:s25], [sflag:$0x2], $0x2800, $0x38;
	[tilespmem:$0x1FF00] =	vst v63  }
0x33: {  	s25 =	simm.s32 @!p1 $0x2  }
0x34: {  	p2 =	sgt.u32 @!p1 s22, $0xF7;
	_ =	swait.ge @!p1 [sflag:s25], $0x2800  }
0x35: {  	p2 =	por p1, !p2;
	[sflag:s25] =	ssyncset.done @!p1 $0x0  }
0x36: {  	[sflag:s25] =	ssyncadd.s32 @!p1 $0xFFFFD800;
	s25 =	sadd.s32 @p2 $0x2, s22  }
0x37: {  	s26 =	smul.u32 @p2 $0xAB, s25;
	_ =	sdelay $0x1  }
0x38: {  	s26 =	sshrl.u32 @p2 s26, $0x9  }
0x39: {  	s26 =	sand.u32 @p2 $0x7F, s26  }
0x3a: {  	s26 =	smul.u32 @p2 $0x3, s26;
	_ =	sdelay $0x1  }
0x3b: {  	s25 =	ssub.s32 @p2 s25, s26  }
0x3c: {  	s22 =	sadd.s32 $0x1, s22;
	s25 =	sand.u32 @p2 $0xFF, s25  }
0x3d: {  	p1 =	seq.s32 s22, $0xFA;
	s25 =	smul.u32 @p2 $0xA000, s25  }
.Ltmp3:
0x3e: {  	_ = 	snop;
	(pc) =	sbr.rel @!p1 .LBB2_5-.Ltmp3, $4  }
0x3f: {  	s25 =	sshrl.u32 @p2 s25, $0x2  }
0x40: {  	s25 =	sadd.s32 @p2 $0x4E80, s25  }
0x41: {  	[tilespmem:s25], [sflag:$0x1] =	stream.indirect.gather @p2 [spmem:s2], $0x80, s23, s16, $0xb8;
	[tilespmem:$0x1FF00] =	vst v63  }
0x42: {  	s24 =	sadd.s32 $0x500, s24;
	s23 =	sadd.s32 $0x50, s23  }
.Ltmp4:
0x43: {  	_ = 	snop;
	(pc) =	sbr.rel .LBB2_6-.Ltmp4, $1  }
0x44: {  	_ =	sdelay $0x3  }
.LBB2_2:
0x45: {  	[spmem:s12], [sflag:s11] =	dma.local [hbm:s4], $0x2710  }
0x46: {  	_ =	swait.ge [sflag:s13], $0x2710  }
0x47: {  	[sflag:s13] =	ssyncset.done $0x0  }
0x48: {  	s22 =	simm.s32 $0x0;
	[sflag:s13] =	ssyncadd.s32 $0xFFFFD8F0  }
0x49: {  	[tilespmem:s22], [sflag:$0x3] =	stream.strided.gather [hbm4b:s5+s14], $0x4E80, s15, s14, $0x38;
	[tilespmem:$0x1FF00] =	vst v63  }
0x4a: {  	_ =	swait.ge [sflag:s13], $0x4E80  }
0x4b: {  	[sflag:s13] =	ssyncset.done $0x0  }
0x4c: {  	[sflag:s13] =	ssyncadd.s32 $0xFFFFB180  }
0x4d: {  	[bflag:$0x0] =	sbarrier.arrive $0xFFFF  }
0x4e: {  	[tilespmem:s17], [sflag:$0x1] =	stream.indirect.gather [spmem:s2], $0x80, s22, s16, $0xb8;
	[tilespmem:$0x1FF00] =	vst v63  }
0x4f: {  	s23 =	simm.s32 $0xA0;
	s24 =	smov.u32 s9  }
0x50: {  	[tilespmem:s18], [sflag:$0x1] =	stream.indirect.gather [spmem:s2], $0x80, s16, s16, $0xb8;
	[tilespmem:$0x1FF00] =	vst v63  }
.LBB2_3:
0x51: {  	s25 =	smul.u32 $0xAB, s22;
	_ =	sdelay $0x1  }
0x52: {  	s25 =	sshrl.u32 s25, $0x9  }
0x53: {  	s25 =	sand.u32 $0x7F, s25  }
0x54: {  	s25 =	smul.u32 $0x3, s25;
	_ =	sdelay $0x1  }
0x55: {  	s25 =	ssub.s32 s22, s25  }
0x56: {  	s25 =	sand.u32 $0xFF, s25  }
0x57: {  	s25 =	smul.u32 $0xA000, s25  }
0x58: {  	_ =	swait.ge [sflag:s19], $0x2800  }
0x59: {  	[sflag:s19] =	ssyncset.done $0x0;
	s25 =	sshrl.u32 s25, $0x2  }
0x5a: {  	p1 =	seq.s32 s22, $0x0;
	[sflag:s19] =	ssyncadd.s32 $0xFFFFD800;
	s25 =	sadd.s32 $0x4E80, s25  }
0x5b: {  	[hbm4b:s24+s3] =	stream.linear.scatter [tilespmem:s25], [sflag:$0x2], $0x2800, $0x38;
	[tilespmem:$0x1FF00] =	vst v63  }
0x5c: {  	s25 =	simm.s32 @!p1 $0x2  }
0x5d: {  	p2 =	sgt.u32 @!p1 s22, $0xF7;
	_ =	swait.ge @!p1 [sflag:s25], $0x2800  }
0x5e: {  	p2 =	por p1, !p2;
	[sflag:s25] =	ssyncset.done @!p1 $0x0  }
0x5f: {  	[sflag:s25] =	ssyncadd.s32 @!p1 $0xFFFFD800;
	s25 =	sadd.s32 @p2 $0x2, s22  }
0x60: {  	s26 =	smul.u32 @p2 $0xAB, s25;
	_ =	sdelay $0x1  }
0x61: {  	s26 =	sshrl.u32 @p2 s26, $0x9  }
0x62: {  	s26 =	sand.u32 @p2 $0x7F, s26  }
0x63: {  	s26 =	smul.u32 @p2 $0x3, s26;
	_ =	sdelay $0x1  }
0x64: {  	s25 =	ssub.s32 @p2 s25, s26  }
0x65: {  	s22 =	sadd.s32 $0x1, s22;
	s25 =	sand.u32 @p2 $0xFF, s25  }
0x66: {  	p1 =	sne.s32 s22, $0xFA;
	s25 =	smul.u32 @p2 $0xA000, s25  }
.Ltmp5:
0x67: {  	_ = 	snop;
	(pc) =	sbr.rel @p1 .LBB2_3-.Ltmp5, $4  }
0x68: {  	s25 =	sshrl.u32 @p2 s25, $0x2  }
0x69: {  	s25 =	sadd.s32 @p2 $0x4E80, s25  }
0x6a: {  	[tilespmem:s25], [sflag:$0x1] =	stream.indirect.gather @p2 [spmem:s2], $0x80, s23, s16, $0xb8;
	[tilespmem:$0x1FF00] =	vst v63  }
0x6b: {  	s24 =	sadd.s32 $0x500, s24;
	s23 =	sadd.s32 $0x50, s23  }
.Ltmp6:
0x6c: {  	_ = 	snop;
	(pc) =	sbr.rel .LBB2_6-.Ltmp6, $1  }
0x6d: {  	_ =	sdelay $0x3  }
.LBB2_7:
0x6e: {  	_ =	sfence.sel $0x180000  }
0x6f: {  	[bflag:$0x0] =	sbarrier.arrive $0xFFFF  }
0x70: {  	p0 =	sne.s32 s1, $0x0;
	_ =	strace $0x90000047  }
0x71: {  	s0 =	sadd.s32 @!p0 $0x100000, s0;
	[bflag:$0x2] =	sbarrier.arrive $0xFFFF  }
0x72: {  	[sflag:s0] =	ssyncadd.tile.s32 @!p0 $0x1;
	_ =	shalt  }
.Lfunc_end2:
_tile_overlayer_lowered:
.L_overlay_start_2:
0x73: {  	(tag) =	ssettag $0x2  }
0x74: {  	s0 =	rddreg [dreg:$0x0];
	s2 =	stileid.u32  }
0x75: {  	s1 =	rddreg [dreg:$0x1];
	p0 =	sne.s32 s2, $0x0  }
0x76: {  	s3 =	rddreg [dreg:$0x2];
	[bflag:$0x3] =	sbarrier.arrive $0xFFFF;
	s2 =	simm.s32 @!p0 $0x1C03  }
0x77: {  	[timem:s3], [sflag:s2] =	dma.local @!p0 [hbm:s0], s1  }
0x78: {  	s0 =	simm.s32 @!p0 $0x3  }
0x79: {  	_ =	swait.ge @!p0 [sflag:s0], s1  }
0x7a: {  	s1 =	ssub.s32 @!p0 $0x0, s1;
	[sflag:s0] =	ssyncset.done @!p0 $0x0  }
0x7b: {  	[sflag:s0] =	ssyncadd.s32 @!p0 s1  }
0x7c: {  	[bflag:$0x3] =	sbarrier.arrive $0xFFFF  }
0x7d: {  	_ =	shalt  }

</sc_bundles>
